<compile_context>
chip_gen: v7x
topology: tpu7x:2x2x1
jax: 0.10.2.dev20260603
libtpu: 0.0.44.dev20260713+nightly
codegen_flags: <defaults>
</compile_context>

<pallas_src>
import functools

import jax
import jax.numpy as jnp
from jax import lax
from jax.experimental import pallas as pl
from jax.experimental.pallas import tpu as pltpu
from jax.experimental.pallas import tpu_sc as plsc

B = 16384
V = 1000000
D = 32
NEG = 10

NCORES = 2
NSUB = 16
NW = NCORES * NSUB

CHUNK = 128

UCHUNKS = B // CHUNK // (NW // 2)
NCHUNKS = B * NEG // CHUNK // NW

TB = 512
NT = B // TB
ROWS_PER_TILE = TB * (1 + NEG)


def _sc_gather(uq, pq, nq, user_table, item_table, neg_table):
    mesh = plsc.VectorSubcoreMesh(core_axis_name="c", subcore_axis_name="s")

    @functools.partial(
        pl.kernel,
        mesh=mesh,
        compiler_params=pltpu.CompilerParams(
            use_tc_tiling_on_sc=False, needs_layout_passes=False),
        out_type=[
            jax.ShapeDtypeStruct((B, D), jnp.float32),
            jax.ShapeDtypeStruct((B, D), jnp.float32),
            jax.ShapeDtypeStruct((B * NEG, D), jnp.float32),
        ],
        scratch_types=[
            pltpu.VMEM((NCHUNKS, CHUNK), jnp.int32),
            pltpu.VMEM((2, CHUNK, D), jnp.float32),
            pltpu.SemaphoreType.DMA,
            pltpu.SemaphoreType.DMA,
            pltpu.SemaphoreType.DMA,
            pltpu.SemaphoreType.DMA,
        ],
    )
    def k(uq_h, pq_h, nq_h, ut_h, it_h, nt_h, uout, pout, nout,
          qbuf, rows, ga, gb, sa, sb):
        wid = lax.axis_index("s") * NCORES + lax.axis_index("c")
        gsem = [ga, gb]
        ssem = [sa, sb]

        def section(tab_h, out_h, nchunks, obase):
            def fire(j, s):
                pltpu.async_copy(tab_h.at[qbuf.at[j]], rows.at[s], gsem[s])

            def store(j, s):
                pltpu.async_copy(
                    rows.at[s], out_h.at[pl.ds(obase + j * CHUNK, CHUNK)],
                    ssem[s])

            def wait(sem, s):
                pltpu.make_async_copy(out_h.at[pl.ds(obase, CHUNK)],
                                      rows.at[s], sem).wait()

            fire(0, 0)
            fire(1, 1)

            def body(g, carry):
                for s in range(2):
                    c = 2 * g + s
                    wait(gsem[s], s)
                    store(c, s)

                    @pl.when(g < nchunks // 2 - 1)
                    def _():
                        wait(ssem[s], s)
                        fire(c + 2, s)
                return carry

            lax.fori_loop(0, nchunks // 2, body, 0, unroll=False)
            wait(ssem[0], 0)
            wait(ssem[1], 1)

        @pl.when(wid < NW // 2)
        def _():
            pltpu.sync_copy(uq_h.at[pl.ds(wid * UCHUNKS, UCHUNKS)],
                            qbuf.at[pl.ds(0, UCHUNKS)])
            section(ut_h, uout, UCHUNKS, wid * UCHUNKS * CHUNK)

        @pl.when(wid >= NW // 2)
        def _():
            w = wid - NW // 2
            pltpu.sync_copy(pq_h.at[pl.ds(w * UCHUNKS, UCHUNKS)],
                            qbuf.at[pl.ds(0, UCHUNKS)])
            section(it_h, pout, UCHUNKS, w * UCHUNKS * CHUNK)

        pltpu.sync_copy(nq_h.at[pl.ds(wid * NCHUNKS, NCHUNKS)], qbuf)
        section(nt_h, nout, NCHUNKS, wid * NCHUNKS * CHUNK)

    return k(uq, pq, nq, user_table, item_table, neg_table)


def _tc_body(u_ref, p_ref, n_ref, w1_ref, b1_ref, w2_ref, b2_ref,
             w3_ref, b3_ref, wdg_ref, wdm_ref, bd_ref, out_ref):
    u = u_ref[...]
    p = p_ref[...]
    n = n_ref[...]
    ut = jnp.broadcast_to(u[:, None, :], (TB, NEG, D)).reshape(TB * NEG, D)

    users = jnp.concatenate([u, ut], axis=0)
    items = jnp.concatenate([p, n], axis=0)

    x = jnp.concatenate([users, items], axis=1)
    h = jnp.maximum(jnp.dot(x, w1_ref[...], preferred_element_type=jnp.float32)
                    + b1_ref[...], 0.0)
    h = jnp.maximum(jnp.dot(h, w2_ref[...], preferred_element_type=jnp.float32)
                    + b2_ref[...], 0.0)
    h = jnp.maximum(jnp.dot(h, w3_ref[...], preferred_element_type=jnp.float32)
                    + b3_ref[...], 0.0)

    g = jax.nn.sigmoid(users * items)

    logit = (jnp.sum(g * wdg_ref[...], axis=1, keepdims=True)
             + jnp.sum(h * wdm_ref[...], axis=1, keepdims=True)
             + bd_ref[0, 0])
    out_ref[...] = logit


def _tc_mlp(user_rows, pos_rows, neg_rows2, W1, b1, W2, b2, W3, b3,
            wdg, wdm, bd):
    full = lambda shape: pl.BlockSpec(shape, lambda i: (0, 0))
    return pl.pallas_call(
        _tc_body,
        grid=(NT,),
        in_specs=[
            pl.BlockSpec((TB, D), lambda i: (i, 0)),
            pl.BlockSpec((TB, D), lambda i: (i, 0)),
            pl.BlockSpec((TB * NEG, D), lambda i: (i, 0)),
            full((2 * D, 64)), full((1, 64)),
            full((64, 16)), full((1, 16)),
            full((16, 8)), full((1, 8)),
            full((1, D)), full((1, 8)), full((1, 1)),
        ],
        out_specs=pl.BlockSpec((ROWS_PER_TILE, 1), lambda i: (i, 0)),
        out_shape=jax.ShapeDtypeStruct((NT * ROWS_PER_TILE, 1), jnp.float32),
    )(user_rows, pos_rows, neg_rows2, W1, b1, W2, b2, W3, b3, wdg, wdm, bd)


def kernel(user_inputs, pos_inputs, neg_inputs, user_table, item_table,
           neg_item_table, W1, b1, W2, b2, W3, b3, Wd, bd):
    uq = user_inputs.reshape(B // CHUNK, CHUNK).astype(jnp.int32)
    pq = pos_inputs.reshape(B // CHUNK, CHUNK).astype(jnp.int32)
    nq = neg_inputs.reshape(B * NEG // CHUNK, CHUNK).astype(jnp.int32)

    user_rows, pos_rows, neg_rows = _sc_gather(
        uq, pq, nq, user_table, item_table, neg_item_table)

    wdg = Wd[:D].reshape(1, D)
    wdm = Wd[D:].reshape(1, 8)
    out = _tc_mlp(user_rows, pos_rows, neg_rows,
                  W1, b1.reshape(1, 64), W2, b2.reshape(1, 16),
                  W3, b3.reshape(1, 8), wdg, wdm, bd.reshape(1, 1))

    o = out.reshape(NT, ROWS_PER_TILE)
    pos_log = o[:, :TB].reshape(B, 1)
    neg_log = o[:, TB:].reshape(B, NEG)
    return jnp.concatenate([pos_log, neg_log], axis=1)

# --- scband reference (transcript-rebuilt; emitter-appended) ---
"""Pipeline reference for scband-ncf-23072564314802 (READ-ONLY COPY).

The authoritative reference and input builder live on the scoring server;
editing this copy changes nothing except your own understanding.
"""

import jax, jax.numpy as jnp
import numpy as np

B = 16384
V = 1000000
D = 32
NEG = 10


def setup_inputs(seed: int = 0):
    key = jax.random.key(seed)
    ks = jax.random.split(key, 16)
    user_inputs = jax.random.randint(ks[0], (B, 1), 0, V)
    pos_inputs = jax.random.randint(ks[1], (B, 1), 0, V)
    neg_inputs = jax.random.randint(ks[2], (B, NEG), 0, V)
    user_table = jax.random.normal(ks[3], (V, D), dtype=jnp.float32) * 0.05
    item_table = jax.random.normal(ks[4], (V, D), dtype=jnp.float32) * 0.05
    neg_item_table = jax.random.normal(ks[5], (V, D), dtype=jnp.float32) * 0.05
    W1 = jax.random.normal(ks[6], (2 * D, 64), dtype=jnp.float32) * (1.0 / np.sqrt(2 * D))
    b1 = jnp.zeros((64,), dtype=jnp.float32)
    W2 = jax.random.normal(ks[7], (64, 16), dtype=jnp.float32) * (1.0 / np.sqrt(64))
    b2 = jnp.zeros((16,), dtype=jnp.float32)
    W3 = jax.random.normal(ks[8], (16, 8), dtype=jnp.float32) * (1.0 / np.sqrt(16))
    b3 = jnp.zeros((8,), dtype=jnp.float32)
    Wd = jax.random.normal(ks[9], (D + 8, 1), dtype=jnp.float32) * (1.0 / np.sqrt(D + 8))
    bd = jnp.zeros((1,), dtype=jnp.float32)
    return {
        "user_inputs": user_inputs,
        "pos_inputs": pos_inputs,
        "neg_inputs": neg_inputs,
        "user_table": user_table,
        "item_table": item_table,
        "neg_item_table": neg_item_table,
        "W1": W1, "b1": b1, "W2": W2, "b2": b2, "W3": W3, "b3": b3,
        "Wd": Wd, "bd": bd,
    }


def _dnn(x, W1, b1, W2, b2, W3, b3):
    # DNN with hidden_units=[64, 16, 8]; dropout is a no-op at inference
    h = jax.nn.relu(x @ W1 + b1)
    h = jax.nn.relu(h @ W2 + b2)
    h = jax.nn.relu(h @ W3 + b3)
    return h


def reference(user_inputs, pos_inputs, neg_inputs, user_table, item_table,
              neg_item_table, W1, b1, W2, b2, W3, b3, Wd, bd):
    # GMF branch
    gmf_user = jnp.take(user_table, user_inputs, axis=0)      # [B, 1, D]
    gmf_pos = jnp.take(item_table, pos_inputs, axis=0)        # [B, 1, D]
    gmf_neg = jnp.take(neg_item_table, neg_inputs, axis=0)    # [B, NEG, D]
    gmf_pos_vector = jax.nn.sigmoid(gmf_user * gmf_pos)       # [B, 1, D]
    gmf_neg_vector = jax.nn.sigmoid(gmf_user * gmf_neg)       # [B, NEG, D]
    # MLP branch (same embedding lookups as in the original model)
    mlp_user = jnp.take(user_table, user_inputs, axis=0)
    mlp_pos = jnp.take(item_table, pos_inputs, axis=0)
    mlp_neg = jnp.take(neg_item_table, neg_inputs, axis=0)
    mlp_pos_vector = jnp.concatenate([mlp_user, mlp_pos], axis=-1)            # [B, 1, 2D]
    mlp_neg_vector = jnp.concatenate([jnp.tile(mlp_user, (1, NEG, 1)), mlp_neg], axis=-1)  # [B, NEG, 2D]
    mlp_pos_vector = _dnn(mlp_pos_vector, W1, b1, W2, b2, W3, b3)             # [B, 1, 8]
    mlp_neg_vector = _dnn(mlp_neg_vector, W1, b1, W2, b2, W3, b3)             # [B, NEG, 8]
    pos_vector = jnp.concatenate([gmf_pos_vector, mlp_pos_vector], axis=-1)   # [B, 1, D+8]
    neg_vector = jnp.concatenate([gmf_neg_vector, mlp_neg_vector], axis=-1)   # [B, NEG, D+8]
    pos_logits = jnp.squeeze(pos_vector @ Wd + bd, axis=-1)                   # [B, 1]
    neg_logits = jnp.squeeze(neg_vector @ Wd + bd, axis=-1)                   # [B, NEG]
    logits = jnp.concatenate([pos_logits, neg_logits], axis=-1)               # [B, 1+NEG]
    return logits

if __name__ == "__main__":
    import jax
    _d = setup_inputs()
    print(jax.jit(kernel)(*tuple(_d.values())))

</pallas_src>

<mosaic_0001>
#map = affine_map<(d0, d1) -> (0, 0)>
module attributes {stable_mosaic.version = 14 : i64} {
  func.func @k(%arg0: i32, %arg1: i32, %arg2: memref<128x128xi32, #tpu.memory_space<hbm>>, %arg3: memref<128x128xi32, #tpu.memory_space<hbm>>, %arg4: memref<1280x128xi32, #tpu.memory_space<hbm>>, %arg5: memref<1000000x32xf32, #tpu.memory_space<hbm>>, %arg6: memref<1000000x32xf32, #tpu.memory_space<hbm>>, %arg7: memref<1000000x32xf32, #tpu.memory_space<hbm>>, %arg8: memref<16384x32xf32, #tpu.memory_space<hbm>>, %arg9: memref<16384x32xf32, #tpu.memory_space<hbm>>, %arg10: memref<163840x32xf32, #tpu.memory_space<hbm>>, %arg11: memref<40x128xi32, #tpu.memory_space<vmem>>, %arg12: memref<2x128x32xf32, #tpu.memory_space<vmem>>, %arg13: memref<!tpu.dma_semaphore, #tpu.memory_space<semaphore_mem>>, %arg14: memref<!tpu.dma_semaphore, #tpu.memory_space<semaphore_mem>>, %arg15: memref<!tpu.dma_semaphore, #tpu.memory_space<semaphore_mem>>, %arg16: memref<!tpu.dma_semaphore, #tpu.memory_space<semaphore_mem>>) attributes {dimension_semantics = [#tpu.dimension_semantics<core_parallel>, #tpu.dimension_semantics<subcore_parallel>], iteration_bounds = array<i64: 2, 16>, scalar_prefetch = 0 : i64, scratch_operands = 6 : i64, tpu.core_type = #tpu.core_type<sc_vector_subcore>, window_params = [{transform_indices = #map}, {transform_indices = #map}, {transform_indices = #map}, {transform_indices = #map}, {transform_indices = #map}, {transform_indices = #map}, {transform_indices = #map}, {transform_indices = #map}, {transform_indices = #map}]} {
    %mul3A = arith.constant 2 : i32
    %mul3A_0 = arith.muli %arg1, %mul3A : i32
    %add3A = arith.addi %mul3A_0, %arg0 : i32
    %lt3A = arith.constant 16 : i32
    %lt3A_1 = arith.cmpi slt, %add3A, %lt3A : i32
    %convert_element_type3A = arith.extui %lt3A_1 : i1 to i32
    %cond3A = arith.constant 0 : i32
    %cond3A_2 = arith.cmpi ne, %convert_element_type3A, %cond3A : i32
    scf.if %cond3A_2 {
      %mul3A_66 = arith.constant 8 : i32
      %mul3A_67 = arith.muli %add3A, %mul3A_66 : i32
      "tpu.region"() ({
        %run_scoped3A = tpu.sem_alloc : memref<!tpu.dma_semaphore, #tpu.memory_space<semaphore_mem>>
        %dma_start3A_128 = arith.constant 0 : i32
        %dma_start3A_129 = arith.constant 0 : i32
        %dma_start3A_130 = tpu.memref_slice %arg11[%dma_start3A_128, %dma_start3A_129] : memref<40x128xi32, #tpu.memory_space<vmem>> -> memref<8x128xi32, #tpu.memory_space<vmem>>
        %dma_start3A_131 = arith.constant 0 : i32
        %dma_start3A_132 = tpu.memref_slice %arg2[%mul3A_67, %dma_start3A_131] : memref<128x128xi32, #tpu.memory_space<hbm>> -> memref<8x128xi32, #tpu.memory_space<hbm>>
        %dma_start3A_133 = arith.constant 0 : i32
        %dma_start3A_134 = arith.constant 0 : i32
        %dma_start3A_135 = tpu.memref_slice %arg11[%dma_start3A_133, %dma_start3A_134] : memref<40x128xi32, #tpu.memory_space<vmem>> -> memref<8x128xi32, #tpu.memory_space<vmem>>
        %dma_start3A_136 = arith.constant 0 : i32
        %dma_start3A_137 = tpu.memref_slice %arg2[%mul3A_67, %dma_start3A_136] : memref<128x128xi32, #tpu.memory_space<hbm>> -> memref<8x128xi32, #tpu.memory_space<hbm>>
        tpu.enqueue_dma source(%dma_start3A_137 : memref<8x128xi32, #tpu.memory_space<hbm>>) target(%dma_start3A_135 : memref<8x128xi32, #tpu.memory_space<vmem>>) target_semaphore(%run_scoped3A : memref<!tpu.dma_semaphore, #tpu.memory_space<semaphore_mem>>)
        %dma_wait3A_138 = arith.constant 0 : i32
        %dma_wait3A_139 = arith.constant 0 : i32
        %dma_wait3A_140 = tpu.memref_slice %arg11[%dma_wait3A_138, %dma_wait3A_139] : memref<40x128xi32, #tpu.memory_space<vmem>> -> memref<8x128xi32, #tpu.memory_space<vmem>>
        %dma_wait3A_141 = arith.constant 0 : i32
        %dma_wait3A_142 = tpu.memref_slice %arg2[%mul3A_67, %dma_wait3A_141] : memref<128x128xi32, #tpu.memory_space<hbm>> -> memref<8x128xi32, #tpu.memory_space<hbm>>
        %dma_wait3A_143 = arith.constant 0 : i32
        %dma_wait3A_144 = arith.constant 0 : i32
        %dma_wait3A_145 = tpu.memref_slice %arg11[%dma_wait3A_143, %dma_wait3A_144] : memref<40x128xi32, #tpu.memory_space<vmem>> -> memref<8x128xi32, #tpu.memory_space<vmem>>
        %dma_wait3A_146 = arith.constant 0 : i32
        %dma_wait3A_147 = tpu.memref_slice %arg2[%mul3A_67, %dma_wait3A_146] : memref<128x128xi32, #tpu.memory_space<hbm>> -> memref<8x128xi32, #tpu.memory_space<hbm>>
        tpu.wait_dma2 semaphore(%run_scoped3A : memref<!tpu.dma_semaphore, #tpu.memory_space<semaphore_mem>>) src(%dma_wait3A_147 : memref<8x128xi32, #tpu.memory_space<hbm>>) dst(%dma_wait3A_145 : memref<8x128xi32, #tpu.memory_space<vmem>>)
        tpu.yield
      }) : () -> ()
      %mul3A_68 = arith.constant 8 : i32
      %mul3A_69 = arith.muli %add3A, %mul3A_68 : i32
      %mul3A_70 = arith.constant 128 : i32
      %mul3A_71 = arith.muli %mul3A_69, %mul3A_70 : i32
      %dma_start3A_72 = arith.constant 0 : i32
      %dma_start3A_73 = arith.constant 0 : i32
      %dma_start3A_74 = arith.constant 0 : i32
      %dma_start3A_75 = arith.constant 0 : i32
      %dma_start3A_76 = tpu.memref_slice %arg12[%dma_start3A_73, %dma_start3A_74, %dma_start3A_75] : memref<2x128x32xf32, #tpu.memory_space<vmem>> -> memref<1x128x32xf32, #tpu.memory_space<vmem>>
      %dma_start3A_77 = tpu.memref_squeeze %dma_start3A_76 : memref<1x128x32xf32, #tpu.memory_space<vmem>> -> memref<128x32xf32, #tpu.memory_space<vmem>>
      %dma_start3A_78 = arith.constant 0 : i32
      %dma_start3A_79 = tpu.memref_slice %arg11[%dma_start3A_72, %dma_start3A_78] : memref<40x128xi32, #tpu.memory_space<vmem>> -> memref<1x128xi32, #tpu.memory_space<vmem>>
      %dma_start3A_80 = tpu.memref_squeeze %dma_start3A_79 : memref<1x128xi32, #tpu.memory_space<vmem>> -> memref<128xi32, #tpu.memory_space<vmem>>
      %dma_start3A_81 = arith.constant 0 : i32
      %dma_start3A_82 = arith.constant 0 : i32
      %dma_start3A_83 = tpu.memref_slice %arg5[%dma_start3A_81, %dma_start3A_82] : memref<1000000x32xf32, #tpu.memory_space<hbm>> -> memref<1000000x32xf32, #tpu.memory_space<hbm>>
      tpu.enqueue_indirect_dma source(%dma_start3A_83 : memref<1000000x32xf32, #tpu.memory_space<hbm>>) target(%dma_start3A_77 : memref<128x32xf32, #tpu.memory_space<vmem>>) offsets(%dma_start3A_80 : memref<128xi32, #tpu.memory_space<vmem>>) semaphore(%arg13 : memref<!tpu.dma_semaphore, #tpu.memory_space<semaphore_mem>>)
      %dma_start3A_84 = arith.constant 1 : i32
      %dma_start3A_85 = arith.constant 1 : i32
      %dma_start3A_86 = arith.constant 0 : i32
      %dma_start3A_87 = arith.constant 0 : i32
      %dma_start3A_88 = tpu.memref_slice %arg12[%dma_start3A_85, %dma_start3A_86, %dma_start3A_87] : memref<2x128x32xf32, #tpu.memory_space<vmem>> -> memref<1x128x32xf32, #tpu.memory_space<vmem>>
      %dma_start3A_89 = tpu.memref_squeeze %dma_start3A_88 : memref<1x128x32xf32, #tpu.memory_space<vmem>> -> memref<128x32xf32, #tpu.memory_space<vmem>>
      %dma_start3A_90 = arith.constant 0 : i32
      %dma_start3A_91 = tpu.memref_slice %arg11[%dma_start3A_84, %dma_start3A_90] : memref<40x128xi32, #tpu.memory_space<vmem>> -> memref<1x128xi32, #tpu.memory_space<vmem>>
      %dma_start3A_92 = tpu.memref_squeeze %dma_start3A_91 : memref<1x128xi32, #tpu.memory_space<vmem>> -> memref<128xi32, #tpu.memory_space<vmem>>
      %dma_start3A_93 = arith.constant 0 : i32
      %dma_start3A_94 = arith.constant 0 : i32
      %dma_start3A_95 = tpu.memref_slice %arg5[%dma_start3A_93, %dma_start3A_94] : memref<1000000x32xf32, #tpu.memory_space<hbm>> -> memref<1000000x32xf32, #tpu.memory_space<hbm>>
      tpu.enqueue_indirect_dma source(%dma_start3A_95 : memref<1000000x32xf32, #tpu.memory_space<hbm>>) target(%dma_start3A_89 : memref<128x32xf32, #tpu.memory_space<vmem>>) offsets(%dma_start3A_92 : memref<128xi32, #tpu.memory_space<vmem>>) semaphore(%arg14 : memref<!tpu.dma_semaphore, #tpu.memory_space<semaphore_mem>>)
      %scan3A_96 = arith.constant 0 : i32
      %scan3A_97 = arith.constant 0 : i32
      %scan3A_98 = arith.constant 4 : i32
      %scan3A_99 = arith.addi %scan3A_97, %scan3A_98 : i32
      %scan3A_100 = arith.constant 1 : i32
      scf.for %scan3A_128 = %scan3A_97 to %scan3A_99 step %scan3A_100  : i32 {
        %mul3A_129 = arith.constant 2 : i32
        %mul3A_130 = arith.muli %mul3A_129, %scan3A_128 : i32
        %add3A_131 = arith.constant 0 : i32
        %add3A_132 = arith.addi %mul3A_130, %add3A_131 : i32
        %dma_wait3A_133 = arith.constant 0 : i32
        %dma_wait3A_134 = arith.constant 0 : i32
        %dma_wait3A_135 = arith.constant 0 : i32
        %dma_wait3A_136 = tpu.memref_slice %arg12[%dma_wait3A_133, %dma_wait3A_134, %dma_wait3A_135] : memref<2x128x32xf32, #tpu.memory_space<vmem>> -> memref<1x128x32xf32, #tpu.memory_space<vmem>>
        %dma_wait3A_137 = tpu.memref_squeeze %dma_wait3A_136 : memref<1x128x32xf32, #tpu.memory_space<vmem>> -> memref<128x32xf32, #tpu.memory_space<vmem>>
        %dma_wait3A_138 = arith.constant 0 : i32
        %dma_wait3A_139 = tpu.memref_slice %arg8[%mul3A_71, %dma_wait3A_138] : memref<16384x32xf32, #tpu.memory_space<hbm>> -> memref<128x32xf32, #tpu.memory_space<hbm>>
        %dma_wait3A_140 = arith.constant 0 : i32
        %dma_wait3A_141 = arith.constant 0 : i32
        %dma_wait3A_142 = tpu.memref_slice %arg12[%dma_wait3A_133, %dma_wait3A_140, %dma_wait3A_141] : memref<2x128x32xf32, #tpu.memory_space<vmem>> -> memref<1x128x32xf32, #tpu.memory_space<vmem>>
        %dma_wait3A_143 = tpu.memref_squeeze %dma_wait3A_142 : memref<1x128x32xf32, #tpu.memory_space<vmem>> -> memref<128x32xf32, #tpu.memory_space<vmem>>
        %dma_wait3A_144 = arith.constant 0 : i32
        %dma_wait3A_145 = tpu.memref_slice %arg8[%mul3A_71, %dma_wait3A_144] : memref<16384x32xf32, #tpu.memory_space<hbm>> -> memref<128x32xf32, #tpu.memory_space<hbm>>
        tpu.wait_dma2 semaphore(%arg13 : memref<!tpu.dma_semaphore, #tpu.memory_space<semaphore_mem>>) src(%dma_wait3A_145 : memref<128x32xf32, #tpu.memory_space<hbm>>) dst(%dma_wait3A_143 : memref<128x32xf32, #tpu.memory_space<vmem>>)
        %mul3A_146 = arith.constant 128 : i32
        %mul3A_147 = arith.muli %add3A_132, %mul3A_146 : i32
        %add3A_148 = arith.addi %mul3A_71, %mul3A_147 : i32
        %dma_start3A_149 = arith.constant 0 : i32
        %dma_start3A_150 = arith.constant 0 : i32
        %dma_start3A_151 = arith.constant 0 : i32
        %dma_start3A_152 = tpu.memref_slice %arg12[%dma_start3A_149, %dma_start3A_150, %dma_start3A_151] : memref<2x128x32xf32, #tpu.memory_space<vmem>> -> memref<1x128x32xf32, #tpu.memory_space<vmem>>
        %dma_start3A_153 = tpu.memref_squeeze %dma_start3A_152 : memref<1x128x32xf32, #tpu.memory_space<vmem>> -> memref<128x32xf32, #tpu.memory_space<vmem>>
        %dma_start3A_154 = arith.constant 0 : i32
        %dma_start3A_155 = tpu.memref_slice %arg8[%add3A_148, %dma_start3A_154] : memref<16384x32xf32, #tpu.memory_space<hbm>> -> memref<128x32xf32, #tpu.memory_space<hbm>>
        %dma_start3A_156 = arith.constant 0 : i32
        %dma_start3A_157 = tpu.memref_slice %arg8[%add3A_148, %dma_start3A_156] : memref<16384x32xf32, #tpu.memory_space<hbm>> -> memref<128x32xf32, #tpu.memory_space<hbm>>
        %dma_start3A_158 = arith.constant 0 : i32
        %dma_start3A_159 = arith.constant 0 : i32
        %dma_start3A_160 = tpu.memref_slice %arg12[%dma_start3A_149, %dma_start3A_158, %dma_start3A_159] : memref<2x128x32xf32, #tpu.memory_space<vmem>> -> memref<1x128x32xf32, #tpu.memory_space<vmem>>
        %dma_start3A_161 = tpu.memref_squeeze %dma_start3A_160 : memref<1x128x32xf32, #tpu.memory_space<vmem>> -> memref<128x32xf32, #tpu.memory_space<vmem>>
        tpu.enqueue_dma source(%dma_start3A_161 : memref<128x32xf32, #tpu.memory_space<vmem>>) target(%dma_start3A_157 : memref<128x32xf32, #tpu.memory_space<hbm>>) target_semaphore(%arg15 : memref<!tpu.dma_semaphore, #tpu.memory_space<semaphore_mem>>)
        %lt3A_162 = arith.constant 3 : i32
        %lt3A_163 = arith.cmpi slt, %scan3A_128, %lt3A_162 : i32
        %convert_element_type3A_164 = arith.extui %lt3A_163 : i1 to i32
        %cond3A_165 = arith.constant 0 : i32
        %cond3A_166 = arith.cmpi ne, %convert_element_type3A_164, %cond3A_165 : i32
        scf.if %cond3A_166 {
          %dma_wait3A_205 = arith.constant 0 : i32
          %dma_wait3A_206 = arith.constant 0 : i32
          %dma_wait3A_207 = arith.constant 0 : i32
          %dma_wait3A_208 = tpu.memref_slice %arg12[%dma_wait3A_205, %dma_wait3A_206, %dma_wait3A_207] : memref<2x128x32xf32, #tpu.memory_space<vmem>> -> memref<1x128x32xf32, #tpu.memory_space<vmem>>
          %dma_wait3A_209 = tpu.memref_squeeze %dma_wait3A_208 : memref<1x128x32xf32, #tpu.memory_space<vmem>> -> memref<128x32xf32, #tpu.memory_space<vmem>>
          %dma_wait3A_210 = arith.constant 0 : i32
          %dma_wait3A_211 = tpu.memref_slice %arg8[%mul3A_71, %dma_wait3A_210] : memref<16384x32xf32, #tpu.memory_space<hbm>> -> memref<128x32xf32, #tpu.memory_space<hbm>>
          %dma_wait3A_212 = arith.constant 0 : i32
          %dma_wait3A_213 = arith.constant 0 : i32
          %dma_wait3A_214 = tpu.memref_slice %arg12[%dma_wait3A_205, %dma_wait3A_212, %dma_wait3A_213] : memref<2x128x32xf32, #tpu.memory_space<vmem>> -> memref<1x128x32xf32, #tpu.memory_space<vmem>>
          %dma_wait3A_215 = tpu.memref_squeeze %dma_wait3A_214 : memref<1x128x32xf32, #tpu.memory_space<vmem>> -> memref<128x32xf32, #tpu.memory_space<vmem>>
          %dma_wait3A_216 = arith.constant 0 : i32
          %dma_wait3A_217 = tpu.memref_slice %arg8[%mul3A_71, %dma_wait3A_216] : memref<16384x32xf32, #tpu.memory_space<hbm>> -> memref<128x32xf32, #tpu.memory_space<hbm>>
          tpu.wait_dma2 semaphore(%arg15 : memref<!tpu.dma_semaphore, #tpu.memory_space<semaphore_mem>>) src(%dma_wait3A_217 : memref<128x32xf32, #tpu.memory_space<hbm>>) dst(%dma_wait3A_215 : memref<128x32xf32, #tpu.memory_space<vmem>>)
          %add3A_218 = arith.constant 2 : i32
          %add3A_219 = arith.addi %add3A_132, %add3A_218 : i32
          %dma_start3A_220 = arith.constant 0 : i32
          %dma_start3A_221 = arith.constant 0 : i32
          %dma_start3A_222 = arith.constant 0 : i32
          %dma_start3A_223 = tpu.memref_slice %arg12[%dma_start3A_220, %dma_start3A_221, %dma_start3A_222] : memref<2x128x32xf32, #tpu.memory_space<vmem>> -> memref<1x128x32xf32, #tpu.memory_space<vmem>>
          %dma_start3A_224 = tpu.memref_squeeze %dma_start3A_223 : memref<1x128x32xf32, #tpu.memory_space<vmem>> -> memref<128x32xf32, #tpu.memory_space<vmem>>
          %dma_start3A_225 = arith.constant 0 : i32
          %dma_start3A_226 = tpu.memref_slice %arg11[%add3A_219, %dma_start3A_225] : memref<40x128xi32, #tpu.memory_space<vmem>> -> memref<1x128xi32, #tpu.memory_space<vmem>>
          %dma_start3A_227 = tpu.memref_squeeze %dma_start3A_226 : memref<1x128xi32, #tpu.memory_space<vmem>> -> memref<128xi32, #tpu.memory_space<vmem>>
          %dma_start3A_228 = arith.constant 0 : i32
          %dma_start3A_229 = arith.constant 0 : i32
          %dma_start3A_230 = tpu.memref_slice %arg5[%dma_start3A_228, %dma_start3A_229] : memref<1000000x32xf32, #tpu.memory_space<hbm>> -> memref<1000000x32xf32, #tpu.memory_space<hbm>>
          tpu.enqueue_indirect_dma source(%dma_start3A_230 : memref<1000000x32xf32, #tpu.memory_space<hbm>>) target(%dma_start3A_224 : memref<128x32xf32, #tpu.memory_space<vmem>>) offsets(%dma_start3A_227 : memref<128xi32, #tpu.memory_space<vmem>>) semaphore(%arg13 : memref<!tpu.dma_semaphore, #tpu.memory_space<semaphore_mem>>)
        } else {
        }
        %mul3A_167 = arith.constant 2 : i32
        %mul3A_168 = arith.muli %mul3A_167, %scan3A_128 : i32
        %add3A_169 = arith.constant 1 : i32
        %add3A_170 = arith.addi %mul3A_168, %add3A_169 : i32
        %dma_wait3A_171 = arith.constant 1 : i32
        %dma_wait3A_172 = arith.constant 0 : i32
        %dma_wait3A_173 = arith.constant 0 : i32
        %dma_wait3A_174 = tpu.memref_slice %arg12[%dma_wait3A_171, %dma_wait3A_172, %dma_wait3A_173] : memref<2x128x32xf32, #tpu.memory_space<vmem>> -> memref<1x128x32xf32, #tpu.memory_space<vmem>>
        %dma_wait3A_175 = tpu.memref_squeeze %dma_wait3A_174 : memref<1x128x32xf32, #tpu.memory_space<vmem>> -> memref<128x32xf32, #tpu.memory_space<vmem>>
        %dma_wait3A_176 = arith.constant 0 : i32
        %dma_wait3A_177 = tpu.memref_slice %arg8[%mul3A_71, %dma_wait3A_176] : memref<16384x32xf32, #tpu.memory_space<hbm>> -> memref<128x32xf32, #tpu.memory_space<hbm>>
        %dma_wait3A_178 = arith.constant 0 : i32
        %dma_wait3A_179 = arith.constant 0 : i32
        %dma_wait3A_180 = tpu.memref_slice %arg12[%dma_wait3A_171, %dma_wait3A_178, %dma_wait3A_179] : memref<2x128x32xf32, #tpu.memory_space<vmem>> -> memref<1x128x32xf32, #tpu.memory_space<vmem>>
        %dma_wait3A_181 = tpu.memref_squeeze %dma_wait3A_180 : memref<1x128x32xf32, #tpu.memory_space<vmem>> -> memref<128x32xf32, #tpu.memory_space<vmem>>
        %dma_wait3A_182 = arith.constant 0 : i32
        %dma_wait3A_183 = tpu.memref_slice %arg8[%mul3A_71, %dma_wait3A_182] : memref<16384x32xf32, #tpu.memory_space<hbm>> -> memref<128x32xf32, #tpu.memory_space<hbm>>
        tpu.wait_dma2 semaphore(%arg14 : memref<!tpu.dma_semaphore, #tpu.memory_space<semaphore_mem>>) src(%dma_wait3A_183 : memref<128x32xf32, #tpu.memory_space<hbm>>) dst(%dma_wait3A_181 : memref<128x32xf32, #tpu.memory_space<vmem>>)
        %mul3A_184 = arith.constant 128 : i32
        %mul3A_185 = arith.muli %add3A_170, %mul3A_184 : i32
        %add3A_186 = arith.addi %mul3A_71, %mul3A_185 : i32
        %dma_start3A_187 = arith.constant 1 : i32
        %dma_start3A_188 = arith.constant 0 : i32
        %dma_start3A_189 = arith.constant 0 : i32
        %dma_start3A_190 = tpu.memref_slice %arg12[%dma_start3A_187, %dma_start3A_188, %dma_start3A_189] : memref<2x128x32xf32, #tpu.memory_space<vmem>> -> memref<1x128x32xf32, #tpu.memory_space<vmem>>
        %dma_start3A_191 = tpu.memref_squeeze %dma_start3A_190 : memref<1x128x32xf32, #tpu.memory_space<vmem>> -> memref<128x32xf32, #tpu.memory_space<vmem>>
        %dma_start3A_192 = arith.constant 0 : i32
        %dma_start3A_193 = tpu.memref_slice %arg8[%add3A_186, %dma_start3A_192] : memref<16384x32xf32, #tpu.memory_space<hbm>> -> memref<128x32xf32, #tpu.memory_space<hbm>>
        %dma_start3A_194 = arith.constant 0 : i32
        %dma_start3A_195 = tpu.memref_slice %arg8[%add3A_186, %dma_start3A_194] : memref<16384x32xf32, #tpu.memory_space<hbm>> -> memref<128x32xf32, #tpu.memory_space<hbm>>
        %dma_start3A_196 = arith.constant 0 : i32
        %dma_start3A_197 = arith.constant 0 : i32
        %dma_start3A_198 = tpu.memref_slice %arg12[%dma_start3A_187, %dma_start3A_196, %dma_start3A_197] : memref<2x128x32xf32, #tpu.memory_space<vmem>> -> memref<1x128x32xf32, #tpu.memory_space<vmem>>
        %dma_start3A_199 = tpu.memref_squeeze %dma_start3A_198 : memref<1x128x32xf32, #tpu.memory_space<vmem>> -> memref<128x32xf32, #tpu.memory_space<vmem>>
        tpu.enqueue_dma source(%dma_start3A_199 : memref<128x32xf32, #tpu.memory_space<vmem>>) target(%dma_start3A_195 : memref<128x32xf32, #tpu.memory_space<hbm>>) target_semaphore(%arg16 : memref<!tpu.dma_semaphore, #tpu.memory_space<semaphore_mem>>)
        %lt3A_200 = arith.constant 3 : i32
        %lt3A_201 = arith.cmpi slt, %scan3A_128, %lt3A_200 : i32
        %convert_element_type3A_202 = arith.extui %lt3A_201 : i1 to i32
        %cond3A_203 = arith.constant 0 : i32
        %cond3A_204 = arith.cmpi ne, %convert_element_type3A_202, %cond3A_203 : i32
        scf.if %cond3A_204 {
          %dma_wait3A_205 = arith.constant 1 : i32
          %dma_wait3A_206 = arith.constant 0 : i32
          %dma_wait3A_207 = arith.constant 0 : i32
          %dma_wait3A_208 = tpu.memref_slice %arg12[%dma_wait3A_205, %dma_wait3A_206, %dma_wait3A_207] : memref<2x128x32xf32, #tpu.memory_space<vmem>> -> memref<1x128x32xf32, #tpu.memory_space<vmem>>
          %dma_wait3A_209 = tpu.memref_squeeze %dma_wait3A_208 : memref<1x128x32xf32, #tpu.memory_space<vmem>> -> memref<128x32xf32, #tpu.memory_space<vmem>>
          %dma_wait3A_210 = arith.constant 0 : i32
          %dma_wait3A_211 = tpu.memref_slice %arg8[%mul3A_71, %dma_wait3A_210] : memref<16384x32xf32, #tpu.memory_space<hbm>> -> memref<128x32xf32, #tpu.memory_space<hbm>>
          %dma_wait3A_212 = arith.constant 0 : i32
          %dma_wait3A_213 = arith.constant 0 : i32
          %dma_wait3A_214 = tpu.memref_slice %arg12[%dma_wait3A_205, %dma_wait3A_212, %dma_wait3A_213] : memref<2x128x32xf32, #tpu.memory_space<vmem>> -> memref<1x128x32xf32, #tpu.memory_space<vmem>>
          %dma_wait3A_215 = tpu.memref_squeeze %dma_wait3A_214 : memref<1x128x32xf32, #tpu.memory_space<vmem>> -> memref<128x32xf32, #tpu.memory_space<vmem>>
          %dma_wait3A_216 = arith.constant 0 : i32
          %dma_wait3A_217 = tpu.memref_slice %arg8[%mul3A_71, %dma_wait3A_216] : memref<16384x32xf32, #tpu.memory_space<hbm>> -> memref<128x32xf32, #tpu.memory_space<hbm>>
          tpu.wait_dma2 semaphore(%arg16 : memref<!tpu.dma_semaphore, #tpu.memory_space<semaphore_mem>>) src(%dma_wait3A_217 : memref<128x32xf32, #tpu.memory_space<hbm>>) dst(%dma_wait3A_215 : memref<128x32xf32, #tpu.memory_space<vmem>>)
          %add3A_218 = arith.constant 2 : i32
          %add3A_219 = arith.addi %add3A_170, %add3A_218 : i32
          %dma_start3A_220 = arith.constant 1 : i32
          %dma_start3A_221 = arith.constant 0 : i32
          %dma_start3A_222 = arith.constant 0 : i32
          %dma_start3A_223 = tpu.memref_slice %arg12[%dma_start3A_220, %dma_start3A_221, %dma_start3A_222] : memref<2x128x32xf32, #tpu.memory_space<vmem>> -> memref<1x128x32xf32, #tpu.memory_space<vmem>>
          %dma_start3A_224 = tpu.memref_squeeze %dma_start3A_223 : memref<1x128x32xf32, #tpu.memory_space<vmem>> -> memref<128x32xf32, #tpu.memory_space<vmem>>
          %dma_start3A_225 = arith.constant 0 : i32
          %dma_start3A_226 = tpu.memref_slice %arg11[%add3A_219, %dma_start3A_225] : memref<40x128xi32, #tpu.memory_space<vmem>> -> memref<1x128xi32, #tpu.memory_space<vmem>>
          %dma_start3A_227 = tpu.memref_squeeze %dma_start3A_226 : memref<1x128xi32, #tpu.memory_space<vmem>> -> memref<128xi32, #tpu.memory_space<vmem>>
          %dma_start3A_228 = arith.constant 0 : i32
          %dma_start3A_229 = arith.constant 0 : i32
          %dma_start3A_230 = tpu.memref_slice %arg5[%dma_start3A_228, %dma_start3A_229] : memref<1000000x32xf32, #tpu.memory_space<hbm>> -> memref<1000000x32xf32, #tpu.memory_space<hbm>>
          tpu.enqueue_indirect_dma source(%dma_start3A_230 : memref<1000000x32xf32, #tpu.memory_space<hbm>>) target(%dma_start3A_224 : memref<128x32xf32, #tpu.memory_space<vmem>>) offsets(%dma_start3A_227 : memref<128xi32, #tpu.memory_space<vmem>>) semaphore(%arg14 : memref<!tpu.dma_semaphore, #tpu.memory_space<semaphore_mem>>)
        } else {
        }
      }
      %scan3A_101 = arith.constant 4 : i32
      %dma_wait3A_102 = arith.constant 0 : i32
      %dma_wait3A_103 = arith.constant 0 : i32
      %dma_wait3A_104 = arith.constant 0 : i32
      %dma_wait3A_105 = tpu.memref_slice %arg12[%dma_wait3A_102, %dma_wait3A_103, %dma_wait3A_104] : memref<2x128x32xf32, #tpu.memory_space<vmem>> -> memref<1x128x32xf32, #tpu.memory_space<vmem>>
      %dma_wait3A_106 = tpu.memref_squeeze %dma_wait3A_105 : memref<1x128x32xf32, #tpu.memory_space<vmem>> -> memref<128x32xf32, #tpu.memory_space<vmem>>
      %dma_wait3A_107 = arith.constant 0 : i32
      %dma_wait3A_108 = tpu.memref_slice %arg8[%mul3A_71, %dma_wait3A_107] : memref<16384x32xf32, #tpu.memory_space<hbm>> -> memref<128x32xf32, #tpu.memory_space<hbm>>
      %dma_wait3A_109 = arith.constant 0 : i32
      %dma_wait3A_110 = arith.constant 0 : i32
      %dma_wait3A_111 = tpu.memref_slice %arg12[%dma_wait3A_102, %dma_wait3A_109, %dma_wait3A_110] : memref<2x128x32xf32, #tpu.memory_space<vmem>> -> memref<1x128x32xf32, #tpu.memory_space<vmem>>
      %dma_wait3A_112 = tpu.memref_squeeze %dma_wait3A_111 : memref<1x128x32xf32, #tpu.memory_space<vmem>> -> memref<128x32xf32, #tpu.memory_space<vmem>>
      %dma_wait3A_113 = arith.constant 0 : i32
      %dma_wait3A_114 = tpu.memref_slice %arg8[%mul3A_71, %dma_wait3A_113] : memref<16384x32xf32, #tpu.memory_space<hbm>> -> memref<128x32xf32, #tpu.memory_space<hbm>>
      tpu.wait_dma2 semaphore(%arg15 : memref<!tpu.dma_semaphore, #tpu.memory_space<semaphore_mem>>) src(%dma_wait3A_114 : memref<128x32xf32, #tpu.memory_space<hbm>>) dst(%dma_wait3A_112 : memref<128x32xf32, #tpu.memory_space<vmem>>)
      %dma_wait3A_115 = arith.constant 1 : i32
      %dma_wait3A_116 = arith.constant 0 : i32
      %dma_wait3A_117 = arith.constant 0 : i32
      %dma_wait3A_118 = tpu.memref_slice %arg12[%dma_wait3A_115, %dma_wait3A_116, %dma_wait3A_117] : memref<2x128x32xf32, #tpu.memory_space<vmem>> -> memref<1x128x32xf32, #tpu.memory_space<vmem>>
      %dma_wait3A_119 = tpu.memref_squeeze %dma_wait3A_118 : memref<1x128x32xf32, #tpu.memory_space<vmem>> -> memref<128x32xf32, #tpu.memory_space<vmem>>
      %dma_wait3A_120 = arith.constant 0 : i32
      %dma_wait3A_121 = tpu.memref_slice %arg8[%mul3A_71, %dma_wait3A_120] : memref<16384x32xf32, #tpu.memory_space<hbm>> -> memref<128x32xf32, #tpu.memory_space<hbm>>
      %dma_wait3A_122 = arith.constant 0 : i32
      %dma_wait3A_123 = arith.constant 0 : i32
      %dma_wait3A_124 = tpu.memref_slice %arg12[%dma_wait3A_115, %dma_wait3A_122, %dma_wait3A_123] : memref<2x128x32xf32, #tpu.memory_space<vmem>> -> memref<1x128x32xf32, #tpu.memory_space<vmem>>
      %dma_wait3A_125 = tpu.memref_squeeze %dma_wait3A_124 : memref<1x128x32xf32, #tpu.memory_space<vmem>> -> memref<128x32xf32, #tpu.memory_space<vmem>>
      %dma_wait3A_126 = arith.constant 0 : i32
      %dma_wait3A_127 = tpu.memref_slice %arg8[%mul3A_71, %dma_wait3A_126] : memref<16384x32xf32, #tpu.memory_space<hbm>> -> memref<128x32xf32, #tpu.memory_space<hbm>>
      tpu.wait_dma2 semaphore(%arg16 : memref<!tpu.dma_semaphore, #tpu.memory_space<semaphore_mem>>) src(%dma_wait3A_127 : memref<128x32xf32, #tpu.memory_space<hbm>>) dst(%dma_wait3A_125 : memref<128x32xf32, #tpu.memory_space<vmem>>)
    } else {
    }
    %ge3A = arith.constant 16 : i32
    %ge3A_3 = arith.cmpi sge, %add3A, %ge3A : i32
    %convert_element_type3A_4 = arith.extui %ge3A_3 : i1 to i32
    %cond3A_5 = arith.constant 0 : i32
    %cond3A_6 = arith.cmpi ne, %convert_element_type3A_4, %cond3A_5 : i32
    scf.if %cond3A_6 {
      %sub3A = arith.constant 16 : i32
      %sub3A_66 = arith.subi %add3A, %sub3A : i32
      %mul3A_67 = arith.constant 8 : i32
      %mul3A_68 = arith.muli %sub3A_66, %mul3A_67 : i32
      "tpu.region"() ({
        %run_scoped3A = tpu.sem_alloc : memref<!tpu.dma_semaphore, #tpu.memory_space<semaphore_mem>>
        %dma_start3A_129 = arith.constant 0 : i32
        %dma_start3A_130 = arith.constant 0 : i32
        %dma_start3A_131 = tpu.memref_slice %arg11[%dma_start3A_129, %dma_start3A_130] : memref<40x128xi32, #tpu.memory_space<vmem>> -> memref<8x128xi32, #tpu.memory_space<vmem>>
        %dma_start3A_132 = arith.constant 0 : i32
        %dma_start3A_133 = tpu.memref_slice %arg3[%mul3A_68, %dma_start3A_132] : memref<128x128xi32, #tpu.memory_space<hbm>> -> memref<8x128xi32, #tpu.memory_space<hbm>>
        %dma_start3A_134 = arith.constant 0 : i32
        %dma_start3A_135 = arith.constant 0 : i32
        %dma_start3A_136 = tpu.memref_slice %arg11[%dma_start3A_134, %dma_start3A_135] : memref<40x128xi32, #tpu.memory_space<vmem>> -> memref<8x128xi32, #tpu.memory_space<vmem>>
        %dma_start3A_137 = arith.constant 0 : i32
        %dma_start3A_138 = tpu.memref_slice %arg3[%mul3A_68, %dma_start3A_137] : memref<128x128xi32, #tpu.memory_space<hbm>> -> memref<8x128xi32, #tpu.memory_space<hbm>>
        tpu.enqueue_dma source(%dma_start3A_138 : memref<8x128xi32, #tpu.memory_space<hbm>>) target(%dma_start3A_136 : memref<8x128xi32, #tpu.memory_space<vmem>>) target_semaphore(%run_scoped3A : memref<!tpu.dma_semaphore, #tpu.memory_space<semaphore_mem>>)
        %dma_wait3A_139 = arith.constant 0 : i32
        %dma_wait3A_140 = arith.constant 0 : i32
        %dma_wait3A_141 = tpu.memref_slice %arg11[%dma_wait3A_139, %dma_wait3A_140] : memref<40x128xi32, #tpu.memory_space<vmem>> -> memref<8x128xi32, #tpu.memory_space<vmem>>
        %dma_wait3A_142 = arith.constant 0 : i32
        %dma_wait3A_143 = tpu.memref_slice %arg3[%mul3A_68, %dma_wait3A_142] : memref<128x128xi32, #tpu.memory_space<hbm>> -> memref<8x128xi32, #tpu.memory_space<hbm>>
        %dma_wait3A_144 = arith.constant 0 : i32
        %dma_wait3A_145 = arith.constant 0 : i32
        %dma_wait3A_146 = tpu.memref_slice %arg11[%dma_wait3A_144, %dma_wait3A_145] : memref<40x128xi32, #tpu.memory_space<vmem>> -> memref<8x128xi32, #tpu.memory_space<vmem>>
        %dma_wait3A_147 = arith.constant 0 : i32
        %dma_wait3A_148 = tpu.memref_slice %arg3[%mul3A_68, %dma_wait3A_147] : memref<128x128xi32, #tpu.memory_space<hbm>> -> memref<8x128xi32, #tpu.memory_space<hbm>>
        tpu.wait_dma2 semaphore(%run_scoped3A : memref<!tpu.dma_semaphore, #tpu.memory_space<semaphore_mem>>) src(%dma_wait3A_148 : memref<8x128xi32, #tpu.memory_space<hbm>>) dst(%dma_wait3A_146 : memref<8x128xi32, #tpu.memory_space<vmem>>)
        tpu.yield
      }) : () -> ()
      %mul3A_69 = arith.constant 8 : i32
      %mul3A_70 = arith.muli %sub3A_66, %mul3A_69 : i32
      %mul3A_71 = arith.constant 128 : i32
      %mul3A_72 = arith.muli %mul3A_70, %mul3A_71 : i32
      %dma_start3A_73 = arith.constant 0 : i32
      %dma_start3A_74 = arith.constant 0 : i32
      %dma_start3A_75 = arith.constant 0 : i32
      %dma_start3A_76 = arith.constant 0 : i32
      %dma_start3A_77 = tpu.memref_slice %arg12[%dma_start3A_74, %dma_start3A_75, %dma_start3A_76] : memref<2x128x32xf32, #tpu.memory_space<vmem>> -> memref<1x128x32xf32, #tpu.memory_space<vmem>>
      %dma_start3A_78 = tpu.memref_squeeze %dma_start3A_77 : memref<1x128x32xf32, #tpu.memory_space<vmem>> -> memref<128x32xf32, #tpu.memory_space<vmem>>
      %dma_start3A_79 = arith.constant 0 : i32
      %dma_start3A_80 = tpu.memref_slice %arg11[%dma_start3A_73, %dma_start3A_79] : memref<40x128xi32, #tpu.memory_space<vmem>> -> memref<1x128xi32, #tpu.memory_space<vmem>>
      %dma_start3A_81 = tpu.memref_squeeze %dma_start3A_80 : memref<1x128xi32, #tpu.memory_space<vmem>> -> memref<128xi32, #tpu.memory_space<vmem>>
      %dma_start3A_82 = arith.constant 0 : i32
      %dma_start3A_83 = arith.constant 0 : i32
      %dma_start3A_84 = tpu.memref_slice %arg6[%dma_start3A_82, %dma_start3A_83] : memref<1000000x32xf32, #tpu.memory_space<hbm>> -> memref<1000000x32xf32, #tpu.memory_space<hbm>>
      tpu.enqueue_indirect_dma source(%dma_start3A_84 : memref<1000000x32xf32, #tpu.memory_space<hbm>>) target(%dma_start3A_78 : memref<128x32xf32, #tpu.memory_space<vmem>>) offsets(%dma_start3A_81 : memref<128xi32, #tpu.memory_space<vmem>>) semaphore(%arg13 : memref<!tpu.dma_semaphore, #tpu.memory_space<semaphore_mem>>)
      %dma_start3A_85 = arith.constant 1 : i32
      %dma_start3A_86 = arith.constant 1 : i32
      %dma_start3A_87 = arith.constant 0 : i32
      %dma_start3A_88 = arith.constant 0 : i32
      %dma_start3A_89 = tpu.memref_slice %arg12[%dma_start3A_86, %dma_start3A_87, %dma_start3A_88] : memref<2x128x32xf32, #tpu.memory_space<vmem>> -> memref<1x128x32xf32, #tpu.memory_space<vmem>>
      %dma_start3A_90 = tpu.memref_squeeze %dma_start3A_89 : memref<1x128x32xf32, #tpu.memory_space<vmem>> -> memref<128x32xf32, #tpu.memory_space<vmem>>
      %dma_start3A_91 = arith.constant 0 : i32
      %dma_start3A_92 = tpu.memref_slice %arg11[%dma_start3A_85, %dma_start3A_91] : memref<40x128xi32, #tpu.memory_space<vmem>> -> memref<1x128xi32, #tpu.memory_space<vmem>>
      %dma_start3A_93 = tpu.memref_squeeze %dma_start3A_92 : memref<1x128xi32, #tpu.memory_space<vmem>> -> memref<128xi32, #tpu.memory_space<vmem>>
      %dma_start3A_94 = arith.constant 0 : i32
      %dma_start3A_95 = arith.constant 0 : i32
      %dma_start3A_96 = tpu.memref_slice %arg6[%dma_start3A_94, %dma_start3A_95] : memref<1000000x32xf32, #tpu.memory_space<hbm>> -> memref<1000000x32xf32, #tpu.memory_space<hbm>>
      tpu.enqueue_indirect_dma source(%dma_start3A_96 : memref<1000000x32xf32, #tpu.memory_space<hbm>>) target(%dma_start3A_90 : memref<128x32xf32, #tpu.memory_space<vmem>>) offsets(%dma_start3A_93 : memref<128xi32, #tpu.memory_space<vmem>>) semaphore(%arg14 : memref<!tpu.dma_semaphore, #tpu.memory_space<semaphore_mem>>)
      %scan3A_97 = arith.constant 0 : i32
      %scan3A_98 = arith.constant 0 : i32
      %scan3A_99 = arith.constant 4 : i32
      %scan3A_100 = arith.addi %scan3A_98, %scan3A_99 : i32
      %scan3A_101 = arith.constant 1 : i32
      scf.for %scan3A_129 = %scan3A_98 to %scan3A_100 step %scan3A_101  : i32 {
        %mul3A_130 = arith.constant 2 : i32
        %mul3A_131 = arith.muli %mul3A_130, %scan3A_129 : i32
        %add3A_132 = arith.constant 0 : i32
        %add3A_133 = arith.addi %mul3A_131, %add3A_132 : i32
        %dma_wait3A_134 = arith.constant 0 : i32
        %dma_wait3A_135 = arith.constant 0 : i32
        %dma_wait3A_136 = arith.constant 0 : i32
        %dma_wait3A_137 = tpu.memref_slice %arg12[%dma_wait3A_134, %dma_wait3A_135, %dma_wait3A_136] : memref<2x128x32xf32, #tpu.memory_space<vmem>> -> memref<1x128x32xf32, #tpu.memory_space<vmem>>
        %dma_wait3A_138 = tpu.memref_squeeze %dma_wait3A_137 : memref<1x128x32xf32, #tpu.memory_space<vmem>> -> memref<128x32xf32, #tpu.memory_space<vmem>>
        %dma_wait3A_139 = arith.constant 0 : i32
        %dma_wait3A_140 = tpu.memref_slice %arg9[%mul3A_72, %dma_wait3A_139] : memref<16384x32xf32, #tpu.memory_space<hbm>> -> memref<128x32xf32, #tpu.memory_space<hbm>>
        %dma_wait3A_141 = arith.constant 0 : i32
        %dma_wait3A_142 = arith.constant 0 : i32
        %dma_wait3A_143 = tpu.memref_slice %arg12[%dma_wait3A_134, %dma_wait3A_141, %dma_wait3A_142] : memref<2x128x32xf32, #tpu.memory_space<vmem>> -> memref<1x128x32xf32, #tpu.memory_space<vmem>>
        %dma_wait3A_144 = tpu.memref_squeeze %dma_wait3A_143 : memref<1x128x32xf32, #tpu.memory_space<vmem>> -> memref<128x32xf32, #tpu.memory_space<vmem>>
        %dma_wait3A_145 = arith.constant 0 : i32
        %dma_wait3A_146 = tpu.memref_slice %arg9[%mul3A_72, %dma_wait3A_145] : memref<16384x32xf32, #tpu.memory_space<hbm>> -> memref<128x32xf32, #tpu.memory_space<hbm>>
        tpu.wait_dma2 semaphore(%arg13 : memref<!tpu.dma_semaphore, #tpu.memory_space<semaphore_mem>>) src(%dma_wait3A_146 : memref<128x32xf32, #tpu.memory_space<hbm>>) dst(%dma_wait3A_144 : memref<128x32xf32, #tpu.memory_space<vmem>>)
        %mul3A_147 = arith.constant 128 : i32
        %mul3A_148 = arith.muli %add3A_133, %mul3A_147 : i32
        %add3A_149 = arith.addi %mul3A_72, %mul3A_148 : i32
        %dma_start3A_150 = arith.constant 0 : i32
        %dma_start3A_151 = arith.constant 0 : i32
        %dma_start3A_152 = arith.constant 0 : i32
        %dma_start3A_153 = tpu.memref_slice %arg12[%dma_start3A_150, %dma_start3A_151, %dma_start3A_152] : memref<2x128x32xf32, #tpu.memory_space<vmem>> -> memref<1x128x32xf32, #tpu.memory_space<vmem>>
        %dma_start3A_154 = tpu.memref_squeeze %dma_start3A_153 : memref<1x128x32xf32, #tpu.memory_space<vmem>> -> memref<128x32xf32, #tpu.memory_space<vmem>>
        %dma_start3A_155 = arith.constant 0 : i32
        %dma_start3A_156 = tpu.memref_slice %arg9[%add3A_149, %dma_start3A_155] : memref<16384x32xf32, #tpu.memory_space<hbm>> -> memref<128x32xf32, #tpu.memory_space<hbm>>
        %dma_start3A_157 = arith.constant 0 : i32
        %dma_start3A_158 = tpu.memref_slice %arg9[%add3A_149, %dma_start3A_157] : memref<16384x32xf32, #tpu.memory_space<hbm>> -> memref<128x32xf32, #tpu.memory_space<hbm>>
        %dma_start3A_159 = arith.constant 0 : i32
        %dma_start3A_160 = arith.constant 0 : i32
        %dma_start3A_161 = tpu.memref_slice %arg12[%dma_start3A_150, %dma_start3A_159, %dma_start3A_160] : memref<2x128x32xf32, #tpu.memory_space<vmem>> -> memref<1x128x32xf32, #tpu.memory_space<vmem>>
        %dma_start3A_162 = tpu.memref_squeeze %dma_start3A_161 : memref<1x128x32xf32, #tpu.memory_space<vmem>> -> memref<128x32xf32, #tpu.memory_space<vmem>>
        tpu.enqueue_dma source(%dma_start3A_162 : memref<128x32xf32, #tpu.memory_space<vmem>>) target(%dma_start3A_158 : memref<128x32xf32, #tpu.memory_space<hbm>>) target_semaphore(%arg15 : memref<!tpu.dma_semaphore, #tpu.memory_space<semaphore_mem>>)
        %lt3A_163 = arith.constant 3 : i32
        %lt3A_164 = arith.cmpi slt, %scan3A_129, %lt3A_163 : i32
        %convert_element_type3A_165 = arith.extui %lt3A_164 : i1 to i32
        %cond3A_166 = arith.constant 0 : i32
        %cond3A_167 = arith.cmpi ne, %convert_element_type3A_165, %cond3A_166 : i32
        scf.if %cond3A_167 {
          %dma_wait3A_206 = arith.constant 0 : i32
          %dma_wait3A_207 = arith.constant 0 : i32
          %dma_wait3A_208 = arith.constant 0 : i32
          %dma_wait3A_209 = tpu.memref_slice %arg12[%dma_wait3A_206, %dma_wait3A_207, %dma_wait3A_208] : memref<2x128x32xf32, #tpu.memory_space<vmem>> -> memref<1x128x32xf32, #tpu.memory_space<vmem>>
          %dma_wait3A_210 = tpu.memref_squeeze %dma_wait3A_209 : memref<1x128x32xf32, #tpu.memory_space<vmem>> -> memref<128x32xf32, #tpu.memory_space<vmem>>
          %dma_wait3A_211 = arith.constant 0 : i32
          %dma_wait3A_212 = tpu.memref_slice %arg9[%mul3A_72, %dma_wait3A_211] : memref<16384x32xf32, #tpu.memory_space<hbm>> -> memref<128x32xf32, #tpu.memory_space<hbm>>
          %dma_wait3A_213 = arith.constant 0 : i32
          %dma_wait3A_214 = arith.constant 0 : i32
          %dma_wait3A_215 = tpu.memref_slice %arg12[%dma_wait3A_206, %dma_wait3A_213, %dma_wait3A_214] : memref<2x128x32xf32, #tpu.memory_space<vmem>> -> memref<1x128x32xf32, #tpu.memory_space<vmem>>
          %dma_wait3A_216 = tpu.memref_squeeze %dma_wait3A_215 : memref<1x128x32xf32, #tpu.memory_space<vmem>> -> memref<128x32xf32, #tpu.memory_space<vmem>>
          %dma_wait3A_217 = arith.constant 0 : i32
          %dma_wait3A_218 = tpu.memref_slice %arg9[%mul3A_72, %dma_wait3A_217] : memref<16384x32xf32, #tpu.memory_space<hbm>> -> memref<128x32xf32, #tpu.memory_space<hbm>>
          tpu.wait_dma2 semaphore(%arg15 : memref<!tpu.dma_semaphore, #tpu.memory_space<semaphore_mem>>) src(%dma_wait3A_218 : memref<128x32xf32, #tpu.memory_space<hbm>>) dst(%dma_wait3A_216 : memref<128x32xf32, #tpu.memory_space<vmem>>)
          %add3A_219 = arith.constant 2 : i32
          %add3A_220 = arith.addi %add3A_133, %add3A_219 : i32
          %dma_start3A_221 = arith.constant 0 : i32
          %dma_start3A_222 = arith.constant 0 : i32
          %dma_start3A_223 = arith.constant 0 : i32
          %dma_start3A_224 = tpu.memref_slice %arg12[%dma_start3A_221, %dma_start3A_222, %dma_start3A_223] : memref<2x128x32xf32, #tpu.memory_space<vmem>> -> memref<1x128x32xf32, #tpu.memory_space<vmem>>
          %dma_start3A_225 = tpu.memref_squeeze %dma_start3A_224 : memref<1x128x32xf32, #tpu.memory_space<vmem>> -> memref<128x32xf32, #tpu.memory_space<vmem>>
          %dma_start3A_226 = arith.constant 0 : i32
          %dma_start3A_227 = tpu.memref_slice %arg11[%add3A_220, %dma_start3A_226] : memref<40x128xi32, #tpu.memory_space<vmem>> -> memref<1x128xi32, #tpu.memory_space<vmem>>
          %dma_start3A_228 = tpu.memref_squeeze %dma_start3A_227 : memref<1x128xi32, #tpu.memory_space<vmem>> -> memref<128xi32, #tpu.memory_space<vmem>>
          %dma_start3A_229 = arith.constant 0 : i32
          %dma_start3A_230 = arith.constant 0 : i32
          %dma_start3A_231 = tpu.memref_slice %arg6[%dma_start3A_229, %dma_start3A_230] : memref<1000000x32xf32, #tpu.memory_space<hbm>> -> memref<1000000x32xf32, #tpu.memory_space<hbm>>
          tpu.enqueue_indirect_dma source(%dma_start3A_231 : memref<1000000x32xf32, #tpu.memory_space<hbm>>) target(%dma_start3A_225 : memref<128x32xf32, #tpu.memory_space<vmem>>) offsets(%dma_start3A_228 : memref<128xi32, #tpu.memory_space<vmem>>) semaphore(%arg13 : memref<!tpu.dma_semaphore, #tpu.memory_space<semaphore_mem>>)
        } else {
        }
        %mul3A_168 = arith.constant 2 : i32
        %mul3A_169 = arith.muli %mul3A_168, %scan3A_129 : i32
        %add3A_170 = arith.constant 1 : i32
        %add3A_171 = arith.addi %mul3A_169, %add3A_170 : i32
        %dma_wait3A_172 = arith.constant 1 : i32
        %dma_wait3A_173 = arith.constant 0 : i32
        %dma_wait3A_174 = arith.constant 0 : i32
        %dma_wait3A_175 = tpu.memref_slice %arg12[%dma_wait3A_172, %dma_wait3A_173, %dma_wait3A_174] : memref<2x128x32xf32, #tpu.memory_space<vmem>> -> memref<1x128x32xf32, #tpu.memory_space<vmem>>
        %dma_wait3A_176 = tpu.memref_squeeze %dma_wait3A_175 : memref<1x128x32xf32, #tpu.memory_space<vmem>> -> memref<128x32xf32, #tpu.memory_space<vmem>>
        %dma_wait3A_177 = arith.constant 0 : i32
        %dma_wait3A_178 = tpu.memref_slice %arg9[%mul3A_72, %dma_wait3A_177] : memref<16384x32xf32, #tpu.memory_space<hbm>> -> memref<128x32xf32, #tpu.memory_space<hbm>>
        %dma_wait3A_179 = arith.constant 0 : i32
        %dma_wait3A_180 = arith.constant 0 : i32
        %dma_wait3A_181 = tpu.memref_slice %arg12[%dma_wait3A_172, %dma_wait3A_179, %dma_wait3A_180] : memref<2x128x32xf32, #tpu.memory_space<vmem>> -> memref<1x128x32xf32, #tpu.memory_space<vmem>>
        %dma_wait3A_182 = tpu.memref_squeeze %dma_wait3A_181 : memref<1x128x32xf32, #tpu.memory_space<vmem>> -> memref<128x32xf32, #tpu.memory_space<vmem>>
        %dma_wait3A_183 = arith.constant 0 : i32
        %dma_wait3A_184 = tpu.memref_slice %arg9[%mul3A_72, %dma_wait3A_183] : memref<16384x32xf32, #tpu.memory_space<hbm>> -> memref<128x32xf32, #tpu.memory_space<hbm>>
        tpu.wait_dma2 semaphore(%arg14 : memref<!tpu.dma_semaphore, #tpu.memory_space<semaphore_mem>>) src(%dma_wait3A_184 : memref<128x32xf32, #tpu.memory_space<hbm>>) dst(%dma_wait3A_182 : memref<128x32xf32, #tpu.memory_space<vmem>>)
        %mul3A_185 = arith.constant 128 : i32
        %mul3A_186 = arith.muli %add3A_171, %mul3A_185 : i32
        %add3A_187 = arith.addi %mul3A_72, %mul3A_186 : i32
        %dma_start3A_188 = arith.constant 1 : i32
        %dma_start3A_189 = arith.constant 0 : i32
        %dma_start3A_190 = arith.constant 0 : i32
        %dma_start3A_191 = tpu.memref_slice %arg12[%dma_start3A_188, %dma_start3A_189, %dma_start3A_190] : memref<2x128x32xf32, #tpu.memory_space<vmem>> -> memref<1x128x32xf32, #tpu.memory_space<vmem>>
        %dma_start3A_192 = tpu.memref_squeeze %dma_start3A_191 : memref<1x128x32xf32, #tpu.memory_space<vmem>> -> memref<128x32xf32, #tpu.memory_space<vmem>>
        %dma_start3A_193 = arith.constant 0 : i32
        %dma_start3A_194 = tpu.memref_slice %arg9[%add3A_187, %dma_start3A_193] : memref<16384x32xf32, #tpu.memory_space<hbm>> -> memref<128x32xf32, #tpu.memory_space<hbm>>
        %dma_start3A_195 = arith.constant 0 : i32
        %dma_start3A_196 = tpu.memref_slice %arg9[%add3A_187, %dma_start3A_195] : memref<16384x32xf32, #tpu.memory_space<hbm>> -> memref<128x32xf32, #tpu.memory_space<hbm>>
        %dma_start3A_197 = arith.constant 0 : i32
        %dma_start3A_198 = arith.constant 0 : i32
        %dma_start3A_199 = tpu.memref_slice %arg12[%dma_start3A_188, %dma_start3A_197, %dma_start3A_198] : memref<2x128x32xf32, #tpu.memory_space<vmem>> -> memref<1x128x32xf32, #tpu.memory_space<vmem>>
        %dma_start3A_200 = tpu.memref_squeeze %dma_start3A_199 : memref<1x128x32xf32, #tpu.memory_space<vmem>> -> memref<128x32xf32, #tpu.memory_space<vmem>>
        tpu.enqueue_dma source(%dma_start3A_200 : memref<128x32xf32, #tpu.memory_space<vmem>>) target(%dma_start3A_196 : memref<128x32xf32, #tpu.memory_space<hbm>>) target_semaphore(%arg16 : memref<!tpu.dma_semaphore, #tpu.memory_space<semaphore_mem>>)
        %lt3A_201 = arith.constant 3 : i32
        %lt3A_202 = arith.cmpi slt, %scan3A_129, %lt3A_201 : i32
        %convert_element_type3A_203 = arith.extui %lt3A_202 : i1 to i32
        %cond3A_204 = arith.constant 0 : i32
        %cond3A_205 = arith.cmpi ne, %convert_element_type3A_203, %cond3A_204 : i32
        scf.if %cond3A_205 {
          %dma_wait3A_206 = arith.constant 1 : i32
          %dma_wait3A_207 = arith.constant 0 : i32
          %dma_wait3A_208 = arith.constant 0 : i32
          %dma_wait3A_209 = tpu.memref_slice %arg12[%dma_wait3A_206, %dma_wait3A_207, %dma_wait3A_208] : memref<2x128x32xf32, #tpu.memory_space<vmem>> -> memref<1x128x32xf32, #tpu.memory_space<vmem>>
          %dma_wait3A_210 = tpu.memref_squeeze %dma_wait3A_209 : memref<1x128x32xf32, #tpu.memory_space<vmem>> -> memref<128x32xf32, #tpu.memory_space<vmem>>
          %dma_wait3A_211 = arith.constant 0 : i32
          %dma_wait3A_212 = tpu.memref_slice %arg9[%mul3A_72, %dma_wait3A_211] : memref<16384x32xf32, #tpu.memory_space<hbm>> -> memref<128x32xf32, #tpu.memory_space<hbm>>
          %dma_wait3A_213 = arith.constant 0 : i32
          %dma_wait3A_214 = arith.constant 0 : i32
          %dma_wait3A_215 = tpu.memref_slice %arg12[%dma_wait3A_206, %dma_wait3A_213, %dma_wait3A_214] : memref<2x128x32xf32, #tpu.memory_space<vmem>> -> memref<1x128x32xf32, #tpu.memory_space<vmem>>
          %dma_wait3A_216 = tpu.memref_squeeze %dma_wait3A_215 : memref<1x128x32xf32, #tpu.memory_space<vmem>> -> memref<128x32xf32, #tpu.memory_space<vmem>>
          %dma_wait3A_217 = arith.constant 0 : i32
          %dma_wait3A_218 = tpu.memref_slice %arg9[%mul3A_72, %dma_wait3A_217] : memref<16384x32xf32, #tpu.memory_space<hbm>> -> memref<128x32xf32, #tpu.memory_space<hbm>>
          tpu.wait_dma2 semaphore(%arg16 : memref<!tpu.dma_semaphore, #tpu.memory_space<semaphore_mem>>) src(%dma_wait3A_218 : memref<128x32xf32, #tpu.memory_space<hbm>>) dst(%dma_wait3A_216 : memref<128x32xf32, #tpu.memory_space<vmem>>)
          %add3A_219 = arith.constant 2 : i32
          %add3A_220 = arith.addi %add3A_171, %add3A_219 : i32
          %dma_start3A_221 = arith.constant 1 : i32
          %dma_start3A_222 = arith.constant 0 : i32
          %dma_start3A_223 = arith.constant 0 : i32
          %dma_start3A_224 = tpu.memref_slice %arg12[%dma_start3A_221, %dma_start3A_222, %dma_start3A_223] : memref<2x128x32xf32, #tpu.memory_space<vmem>> -> memref<1x128x32xf32, #tpu.memory_space<vmem>>
          %dma_start3A_225 = tpu.memref_squeeze %dma_start3A_224 : memref<1x128x32xf32, #tpu.memory_space<vmem>> -> memref<128x32xf32, #tpu.memory_space<vmem>>
          %dma_start3A_226 = arith.constant 0 : i32
          %dma_start3A_227 = tpu.memref_slice %arg11[%add3A_220, %dma_start3A_226] : memref<40x128xi32, #tpu.memory_space<vmem>> -> memref<1x128xi32, #tpu.memory_space<vmem>>
          %dma_start3A_228 = tpu.memref_squeeze %dma_start3A_227 : memref<1x128xi32, #tpu.memory_space<vmem>> -> memref<128xi32, #tpu.memory_space<vmem>>
          %dma_start3A_229 = arith.constant 0 : i32
          %dma_start3A_230 = arith.constant 0 : i32
          %dma_start3A_231 = tpu.memref_slice %arg6[%dma_start3A_229, %dma_start3A_230] : memref<1000000x32xf32, #tpu.memory_space<hbm>> -> memref<1000000x32xf32, #tpu.memory_space<hbm>>
          tpu.enqueue_indirect_dma source(%dma_start3A_231 : memref<1000000x32xf32, #tpu.memory_space<hbm>>) target(%dma_start3A_225 : memref<128x32xf32, #tpu.memory_space<vmem>>) offsets(%dma_start3A_228 : memref<128xi32, #tpu.memory_space<vmem>>) semaphore(%arg14 : memref<!tpu.dma_semaphore, #tpu.memory_space<semaphore_mem>>)
        } else {
        }
      }
      %scan3A_102 = arith.constant 4 : i32
      %dma_wait3A_103 = arith.constant 0 : i32
      %dma_wait3A_104 = arith.constant 0 : i32
      %dma_wait3A_105 = arith.constant 0 : i32
      %dma_wait3A_106 = tpu.memref_slice %arg12[%dma_wait3A_103, %dma_wait3A_104, %dma_wait3A_105] : memref<2x128x32xf32, #tpu.memory_space<vmem>> -> memref<1x128x32xf32, #tpu.memory_space<vmem>>
      %dma_wait3A_107 = tpu.memref_squeeze %dma_wait3A_106 : memref<1x128x32xf32, #tpu.memory_space<vmem>> -> memref<128x32xf32, #tpu.memory_space<vmem>>
      %dma_wait3A_108 = arith.constant 0 : i32
      %dma_wait3A_109 = tpu.memref_slice %arg9[%mul3A_72, %dma_wait3A_108] : memref<16384x32xf32, #tpu.memory_space<hbm>> -> memref<128x32xf32, #tpu.memory_space<hbm>>
      %dma_wait3A_110 = arith.constant 0 : i32
      %dma_wait3A_111 = arith.constant 0 : i32
      %dma_wait3A_112 = tpu.memref_slice %arg12[%dma_wait3A_103, %dma_wait3A_110, %dma_wait3A_111] : memref<2x128x32xf32, #tpu.memory_space<vmem>> -> memref<1x128x32xf32, #tpu.memory_space<vmem>>
      %dma_wait3A_113 = tpu.memref_squeeze %dma_wait3A_112 : memref<1x128x32xf32, #tpu.memory_space<vmem>> -> memref<128x32xf32, #tpu.memory_space<vmem>>
      %dma_wait3A_114 = arith.constant 0 : i32
      %dma_wait3A_115 = tpu.memref_slice %arg9[%mul3A_72, %dma_wait3A_114] : memref<16384x32xf32, #tpu.memory_space<hbm>> -> memref<128x32xf32, #tpu.memory_space<hbm>>
      tpu.wait_dma2 semaphore(%arg15 : memref<!tpu.dma_semaphore, #tpu.memory_space<semaphore_mem>>) src(%dma_wait3A_115 : memref<128x32xf32, #tpu.memory_space<hbm>>) dst(%dma_wait3A_113 : memref<128x32xf32, #tpu.memory_space<vmem>>)
      %dma_wait3A_116 = arith.constant 1 : i32
      %dma_wait3A_117 = arith.constant 0 : i32
      %dma_wait3A_118 = arith.constant 0 : i32
      %dma_wait3A_119 = tpu.memref_slice %arg12[%dma_wait3A_116, %dma_wait3A_117, %dma_wait3A_118] : memref<2x128x32xf32, #tpu.memory_space<vmem>> -> memref<1x128x32xf32, #tpu.memory_space<vmem>>
      %dma_wait3A_120 = tpu.memref_squeeze %dma_wait3A_119 : memref<1x128x32xf32, #tpu.memory_space<vmem>> -> memref<128x32xf32, #tpu.memory_space<vmem>>
      %dma_wait3A_121 = arith.constant 0 : i32
      %dma_wait3A_122 = tpu.memref_slice %arg9[%mul3A_72, %dma_wait3A_121] : memref<16384x32xf32, #tpu.memory_space<hbm>> -> memref<128x32xf32, #tpu.memory_space<hbm>>
      %dma_wait3A_123 = arith.constant 0 : i32
      %dma_wait3A_124 = arith.constant 0 : i32
      %dma_wait3A_125 = tpu.memref_slice %arg12[%dma_wait3A_116, %dma_wait3A_123, %dma_wait3A_124] : memref<2x128x32xf32, #tpu.memory_space<vmem>> -> memref<1x128x32xf32, #tpu.memory_space<vmem>>
      %dma_wait3A_126 = tpu.memref_squeeze %dma_wait3A_125 : memref<1x128x32xf32, #tpu.memory_space<vmem>> -> memref<128x32xf32, #tpu.memory_space<vmem>>
      %dma_wait3A_127 = arith.constant 0 : i32
      %dma_wait3A_128 = tpu.memref_slice %arg9[%mul3A_72, %dma_wait3A_127] : memref<16384x32xf32, #tpu.memory_space<hbm>> -> memref<128x32xf32, #tpu.memory_space<hbm>>
      tpu.wait_dma2 semaphore(%arg16 : memref<!tpu.dma_semaphore, #tpu.memory_space<semaphore_mem>>) src(%dma_wait3A_128 : memref<128x32xf32, #tpu.memory_space<hbm>>) dst(%dma_wait3A_126 : memref<128x32xf32, #tpu.memory_space<vmem>>)
    } else {
    }
    %mul3A_7 = arith.constant 40 : i32
    %mul3A_8 = arith.muli %add3A, %mul3A_7 : i32
    "tpu.region"() ({
      %run_scoped3A = tpu.sem_alloc : memref<!tpu.dma_semaphore, #tpu.memory_space<semaphore_mem>>
      %dma_start3A_66 = arith.constant 0 : i32
      %dma_start3A_67 = tpu.memref_slice %arg4[%mul3A_8, %dma_start3A_66] : memref<1280x128xi32, #tpu.memory_space<hbm>> -> memref<40x128xi32, #tpu.memory_space<hbm>>
      %dma_start3A_68 = arith.constant 0 : i32
      %dma_start3A_69 = tpu.memref_slice %arg4[%mul3A_8, %dma_start3A_68] : memref<1280x128xi32, #tpu.memory_space<hbm>> -> memref<40x128xi32, #tpu.memory_space<hbm>>
      tpu.enqueue_dma source(%dma_start3A_69 : memref<40x128xi32, #tpu.memory_space<hbm>>) target(%arg11 : memref<40x128xi32, #tpu.memory_space<vmem>>) target_semaphore(%run_scoped3A : memref<!tpu.dma_semaphore, #tpu.memory_space<semaphore_mem>>)
      %dma_wait3A_70 = arith.constant 0 : i32
      %dma_wait3A_71 = tpu.memref_slice %arg4[%mul3A_8, %dma_wait3A_70] : memref<1280x128xi32, #tpu.memory_space<hbm>> -> memref<40x128xi32, #tpu.memory_space<hbm>>
      %dma_wait3A_72 = arith.constant 0 : i32
      %dma_wait3A_73 = tpu.memref_slice %arg4[%mul3A_8, %dma_wait3A_72] : memref<1280x128xi32, #tpu.memory_space<hbm>> -> memref<40x128xi32, #tpu.memory_space<hbm>>
      tpu.wait_dma2 semaphore(%run_scoped3A : memref<!tpu.dma_semaphore, #tpu.memory_space<semaphore_mem>>) src(%dma_wait3A_73 : memref<40x128xi32, #tpu.memory_space<hbm>>) dst(%arg11 : memref<40x128xi32, #tpu.memory_space<vmem>>)
      tpu.yield
    }) : () -> ()
    %mul3A_9 = arith.constant 40 : i32
    %mul3A_10 = arith.muli %add3A, %mul3A_9 : i32
    %mul3A_11 = arith.constant 128 : i32
    %mul3A_12 = arith.muli %mul3A_10, %mul3A_11 : i32
    %dma_start3A = arith.constant 0 : i32
    %dma_start3A_13 = arith.constant 0 : i32
    %dma_start3A_14 = arith.constant 0 : i32
    %dma_start3A_15 = arith.constant 0 : i32
    %dma_start3A_16 = tpu.memref_slice %arg12[%dma_start3A_13, %dma_start3A_14, %dma_start3A_15] : memref<2x128x32xf32, #tpu.memory_space<vmem>> -> memref<1x128x32xf32, #tpu.memory_space<vmem>>
    %dma_start3A_17 = tpu.memref_squeeze %dma_start3A_16 : memref<1x128x32xf32, #tpu.memory_space<vmem>> -> memref<128x32xf32, #tpu.memory_space<vmem>>
    %dma_start3A_18 = arith.constant 0 : i32
    %dma_start3A_19 = tpu.memref_slice %arg11[%dma_start3A, %dma_start3A_18] : memref<40x128xi32, #tpu.memory_space<vmem>> -> memref<1x128xi32, #tpu.memory_space<vmem>>
    %dma_start3A_20 = tpu.memref_squeeze %dma_start3A_19 : memref<1x128xi32, #tpu.memory_space<vmem>> -> memref<128xi32, #tpu.memory_space<vmem>>
    %dma_start3A_21 = arith.constant 0 : i32
    %dma_start3A_22 = arith.constant 0 : i32
    %dma_start3A_23 = tpu.memref_slice %arg7[%dma_start3A_21, %dma_start3A_22] : memref<1000000x32xf32, #tpu.memory_space<hbm>> -> memref<1000000x32xf32, #tpu.memory_space<hbm>>
    tpu.enqueue_indirect_dma source(%dma_start3A_23 : memref<1000000x32xf32, #tpu.memory_space<hbm>>) target(%dma_start3A_17 : memref<128x32xf32, #tpu.memory_space<vmem>>) offsets(%dma_start3A_20 : memref<128xi32, #tpu.memory_space<vmem>>) semaphore(%arg13 : memref<!tpu.dma_semaphore, #tpu.memory_space<semaphore_mem>>)
    %dma_start3A_24 = arith.constant 1 : i32
    %dma_start3A_25 = arith.constant 1 : i32
    %dma_start3A_26 = arith.constant 0 : i32
    %dma_start3A_27 = arith.constant 0 : i32
    %dma_start3A_28 = tpu.memref_slice %arg12[%dma_start3A_25, %dma_start3A_26, %dma_start3A_27] : memref<2x128x32xf32, #tpu.memory_space<vmem>> -> memref<1x128x32xf32, #tpu.memory_space<vmem>>
    %dma_start3A_29 = tpu.memref_squeeze %dma_start3A_28 : memref<1x128x32xf32, #tpu.memory_space<vmem>> -> memref<128x32xf32, #tpu.memory_space<vmem>>
    %dma_start3A_30 = arith.constant 0 : i32
    %dma_start3A_31 = tpu.memref_slice %arg11[%dma_start3A_24, %dma_start3A_30] : memref<40x128xi32, #tpu.memory_space<vmem>> -> memref<1x128xi32, #tpu.memory_space<vmem>>
    %dma_start3A_32 = tpu.memref_squeeze %dma_start3A_31 : memref<1x128xi32, #tpu.memory_space<vmem>> -> memref<128xi32, #tpu.memory_space<vmem>>
    %dma_start3A_33 = arith.constant 0 : i32
    %dma_start3A_34 = arith.constant 0 : i32
    %dma_start3A_35 = tpu.memref_slice %arg7[%dma_start3A_33, %dma_start3A_34] : memref<1000000x32xf32, #tpu.memory_space<hbm>> -> memref<1000000x32xf32, #tpu.memory_space<hbm>>
    tpu.enqueue_indirect_dma source(%dma_start3A_35 : memref<1000000x32xf32, #tpu.memory_space<hbm>>) target(%dma_start3A_29 : memref<128x32xf32, #tpu.memory_space<vmem>>) offsets(%dma_start3A_32 : memref<128xi32, #tpu.memory_space<vmem>>) semaphore(%arg14 : memref<!tpu.dma_semaphore, #tpu.memory_space<semaphore_mem>>)
    %scan3A = arith.constant 0 : i32
    %scan3A_36 = arith.constant 0 : i32
    %scan3A_37 = arith.constant 20 : i32
    %scan3A_38 = arith.addi %scan3A_36, %scan3A_37 : i32
    %scan3A_39 = arith.constant 1 : i32
    scf.for %scan3A_66 = %scan3A_36 to %scan3A_38 step %scan3A_39  : i32 {
      %mul3A_67 = arith.constant 2 : i32
      %mul3A_68 = arith.muli %mul3A_67, %scan3A_66 : i32
      %add3A_69 = arith.constant 0 : i32
      %add3A_70 = arith.addi %mul3A_68, %add3A_69 : i32
      %dma_wait3A_71 = arith.constant 0 : i32
      %dma_wait3A_72 = arith.constant 0 : i32
      %dma_wait3A_73 = arith.constant 0 : i32
      %dma_wait3A_74 = tpu.memref_slice %arg12[%dma_wait3A_71, %dma_wait3A_72, %dma_wait3A_73] : memref<2x128x32xf32, #tpu.memory_space<vmem>> -> memref<1x128x32xf32, #tpu.memory_space<vmem>>
      %dma_wait3A_75 = tpu.memref_squeeze %dma_wait3A_74 : memref<1x128x32xf32, #tpu.memory_space<vmem>> -> memref<128x32xf32, #tpu.memory_space<vmem>>
      %dma_wait3A_76 = arith.constant 0 : i32
      %dma_wait3A_77 = tpu.memref_slice %arg10[%mul3A_12, %dma_wait3A_76] : memref<163840x32xf32, #tpu.memory_space<hbm>> -> memref<128x32xf32, #tpu.memory_space<hbm>>
      %dma_wait3A_78 = arith.constant 0 : i32
      %dma_wait3A_79 = arith.constant 0 : i32
      %dma_wait3A_80 = tpu.memref_slice %arg12[%dma_wait3A_71, %dma_wait3A_78, %dma_wait3A_79] : memref<2x128x32xf32, #tpu.memory_space<vmem>> -> memref<1x128x32xf32, #tpu.memory_space<vmem>>
      %dma_wait3A_81 = tpu.memref_squeeze %dma_wait3A_80 : memref<1x128x32xf32, #tpu.memory_space<vmem>> -> memref<128x32xf32, #tpu.memory_space<vmem>>
      %dma_wait3A_82 = arith.constant 0 : i32
      %dma_wait3A_83 = tpu.memref_slice %arg10[%mul3A_12, %dma_wait3A_82] : memref<163840x32xf32, #tpu.memory_space<hbm>> -> memref<128x32xf32, #tpu.memory_space<hbm>>
      tpu.wait_dma2 semaphore(%arg13 : memref<!tpu.dma_semaphore, #tpu.memory_space<semaphore_mem>>) src(%dma_wait3A_83 : memref<128x32xf32, #tpu.memory_space<hbm>>) dst(%dma_wait3A_81 : memref<128x32xf32, #tpu.memory_space<vmem>>)
      %mul3A_84 = arith.constant 128 : i32
      %mul3A_85 = arith.muli %add3A_70, %mul3A_84 : i32
      %add3A_86 = arith.addi %mul3A_12, %mul3A_85 : i32
      %dma_start3A_87 = arith.constant 0 : i32
      %dma_start3A_88 = arith.constant 0 : i32
      %dma_start3A_89 = arith.constant 0 : i32
      %dma_start3A_90 = tpu.memref_slice %arg12[%dma_start3A_87, %dma_start3A_88, %dma_start3A_89] : memref<2x128x32xf32, #tpu.memory_space<vmem>> -> memref<1x128x32xf32, #tpu.memory_space<vmem>>
      %dma_start3A_91 = tpu.memref_squeeze %dma_start3A_90 : memref<1x128x32xf32, #tpu.memory_space<vmem>> -> memref<128x32xf32, #tpu.memory_space<vmem>>
      %dma_start3A_92 = arith.constant 0 : i32
      %dma_start3A_93 = tpu.memref_slice %arg10[%add3A_86, %dma_start3A_92] : memref<163840x32xf32, #tpu.memory_space<hbm>> -> memref<128x32xf32, #tpu.memory_space<hbm>>
      %dma_start3A_94 = arith.constant 0 : i32
      %dma_start3A_95 = tpu.memref_slice %arg10[%add3A_86, %dma_start3A_94] : memref<163840x32xf32, #tpu.memory_space<hbm>> -> memref<128x32xf32, #tpu.memory_space<hbm>>
      %dma_start3A_96 = arith.constant 0 : i32
      %dma_start3A_97 = arith.constant 0 : i32
      %dma_start3A_98 = tpu.memref_slice %arg12[%dma_start3A_87, %dma_start3A_96, %dma_start3A_97] : memref<2x128x32xf32, #tpu.memory_space<vmem>> -> memref<1x128x32xf32, #tpu.memory_space<vmem>>
      %dma_start3A_99 = tpu.memref_squeeze %dma_start3A_98 : memref<1x128x32xf32, #tpu.memory_space<vmem>> -> memref<128x32xf32, #tpu.memory_space<vmem>>
      tpu.enqueue_dma source(%dma_start3A_99 : memref<128x32xf32, #tpu.memory_space<vmem>>) target(%dma_start3A_95 : memref<128x32xf32, #tpu.memory_space<hbm>>) target_semaphore(%arg15 : memref<!tpu.dma_semaphore, #tpu.memory_space<semaphore_mem>>)
      %lt3A_100 = arith.constant 19 : i32
      %lt3A_101 = arith.cmpi slt, %scan3A_66, %lt3A_100 : i32
      %convert_element_type3A_102 = arith.extui %lt3A_101 : i1 to i32
      %cond3A_103 = arith.constant 0 : i32
      %cond3A_104 = arith.cmpi ne, %convert_element_type3A_102, %cond3A_103 : i32
      scf.if %cond3A_104 {
        %dma_wait3A_143 = arith.constant 0 : i32
        %dma_wait3A_144 = arith.constant 0 : i32
        %dma_wait3A_145 = arith.constant 0 : i32
        %dma_wait3A_146 = tpu.memref_slice %arg12[%dma_wait3A_143, %dma_wait3A_144, %dma_wait3A_145] : memref<2x128x32xf32, #tpu.memory_space<vmem>> -> memref<1x128x32xf32, #tpu.memory_space<vmem>>
        %dma_wait3A_147 = tpu.memref_squeeze %dma_wait3A_146 : memref<1x128x32xf32, #tpu.memory_space<vmem>> -> memref<128x32xf32, #tpu.memory_space<vmem>>
        %dma_wait3A_148 = arith.constant 0 : i32
        %dma_wait3A_149 = tpu.memref_slice %arg10[%mul3A_12, %dma_wait3A_148] : memref<163840x32xf32, #tpu.memory_space<hbm>> -> memref<128x32xf32, #tpu.memory_space<hbm>>
        %dma_wait3A_150 = arith.constant 0 : i32
        %dma_wait3A_151 = arith.constant 0 : i32
        %dma_wait3A_152 = tpu.memref_slice %arg12[%dma_wait3A_143, %dma_wait3A_150, %dma_wait3A_151] : memref<2x128x32xf32, #tpu.memory_space<vmem>> -> memref<1x128x32xf32, #tpu.memory_space<vmem>>
        %dma_wait3A_153 = tpu.memref_squeeze %dma_wait3A_152 : memref<1x128x32xf32, #tpu.memory_space<vmem>> -> memref<128x32xf32, #tpu.memory_space<vmem>>
        %dma_wait3A_154 = arith.constant 0 : i32
        %dma_wait3A_155 = tpu.memref_slice %arg10[%mul3A_12, %dma_wait3A_154] : memref<163840x32xf32, #tpu.memory_space<hbm>> -> memref<128x32xf32, #tpu.memory_space<hbm>>
        tpu.wait_dma2 semaphore(%arg15 : memref<!tpu.dma_semaphore, #tpu.memory_space<semaphore_mem>>) src(%dma_wait3A_155 : memref<128x32xf32, #tpu.memory_space<hbm>>) dst(%dma_wait3A_153 : memref<128x32xf32, #tpu.memory_space<vmem>>)
        %add3A_156 = arith.constant 2 : i32
        %add3A_157 = arith.addi %add3A_70, %add3A_156 : i32
        %dma_start3A_158 = arith.constant 0 : i32
        %dma_start3A_159 = arith.constant 0 : i32
        %dma_start3A_160 = arith.constant 0 : i32
        %dma_start3A_161 = tpu.memref_slice %arg12[%dma_start3A_158, %dma_start3A_159, %dma_start3A_160] : memref<2x128x32xf32, #tpu.memory_space<vmem>> -> memref<1x128x32xf32, #tpu.memory_space<vmem>>
        %dma_start3A_162 = tpu.memref_squeeze %dma_start3A_161 : memref<1x128x32xf32, #tpu.memory_space<vmem>> -> memref<128x32xf32, #tpu.memory_space<vmem>>
        %dma_start3A_163 = arith.constant 0 : i32
        %dma_start3A_164 = tpu.memref_slice %arg11[%add3A_157, %dma_start3A_163] : memref<40x128xi32, #tpu.memory_space<vmem>> -> memref<1x128xi32, #tpu.memory_space<vmem>>
        %dma_start3A_165 = tpu.memref_squeeze %dma_start3A_164 : memref<1x128xi32, #tpu.memory_space<vmem>> -> memref<128xi32, #tpu.memory_space<vmem>>
        %dma_start3A_166 = arith.constant 0 : i32
        %dma_start3A_167 = arith.constant 0 : i32
        %dma_start3A_168 = tpu.memref_slice %arg7[%dma_start3A_166, %dma_start3A_167] : memref<1000000x32xf32, #tpu.memory_space<hbm>> -> memref<1000000x32xf32, #tpu.memory_space<hbm>>
        tpu.enqueue_indirect_dma source(%dma_start3A_168 : memref<1000000x32xf32, #tpu.memory_space<hbm>>) target(%dma_start3A_162 : memref<128x32xf32, #tpu.memory_space<vmem>>) offsets(%dma_start3A_165 : memref<128xi32, #tpu.memory_space<vmem>>) semaphore(%arg13 : memref<!tpu.dma_semaphore, #tpu.memory_space<semaphore_mem>>)
      } else {
      }
      %mul3A_105 = arith.constant 2 : i32
      %mul3A_106 = arith.muli %mul3A_105, %scan3A_66 : i32
      %add3A_107 = arith.constant 1 : i32
      %add3A_108 = arith.addi %mul3A_106, %add3A_107 : i32
      %dma_wait3A_109 = arith.constant 1 : i32
      %dma_wait3A_110 = arith.constant 0 : i32
      %dma_wait3A_111 = arith.constant 0 : i32
      %dma_wait3A_112 = tpu.memref_slice %arg12[%dma_wait3A_109, %dma_wait3A_110, %dma_wait3A_111] : memref<2x128x32xf32, #tpu.memory_space<vmem>> -> memref<1x128x32xf32, #tpu.memory_space<vmem>>
      %dma_wait3A_113 = tpu.memref_squeeze %dma_wait3A_112 : memref<1x128x32xf32, #tpu.memory_space<vmem>> -> memref<128x32xf32, #tpu.memory_space<vmem>>
      %dma_wait3A_114 = arith.constant 0 : i32
      %dma_wait3A_115 = tpu.memref_slice %arg10[%mul3A_12, %dma_wait3A_114] : memref<163840x32xf32, #tpu.memory_space<hbm>> -> memref<128x32xf32, #tpu.memory_space<hbm>>
      %dma_wait3A_116 = arith.constant 0 : i32
      %dma_wait3A_117 = arith.constant 0 : i32
      %dma_wait3A_118 = tpu.memref_slice %arg12[%dma_wait3A_109, %dma_wait3A_116, %dma_wait3A_117] : memref<2x128x32xf32, #tpu.memory_space<vmem>> -> memref<1x128x32xf32, #tpu.memory_space<vmem>>
      %dma_wait3A_119 = tpu.memref_squeeze %dma_wait3A_118 : memref<1x128x32xf32, #tpu.memory_space<vmem>> -> memref<128x32xf32, #tpu.memory_space<vmem>>
      %dma_wait3A_120 = arith.constant 0 : i32
      %dma_wait3A_121 = tpu.memref_slice %arg10[%mul3A_12, %dma_wait3A_120] : memref<163840x32xf32, #tpu.memory_space<hbm>> -> memref<128x32xf32, #tpu.memory_space<hbm>>
      tpu.wait_dma2 semaphore(%arg14 : memref<!tpu.dma_semaphore, #tpu.memory_space<semaphore_mem>>) src(%dma_wait3A_121 : memref<128x32xf32, #tpu.memory_space<hbm>>) dst(%dma_wait3A_119 : memref<128x32xf32, #tpu.memory_space<vmem>>)
      %mul3A_122 = arith.constant 128 : i32
      %mul3A_123 = arith.muli %add3A_108, %mul3A_122 : i32
      %add3A_124 = arith.addi %mul3A_12, %mul3A_123 : i32
      %dma_start3A_125 = arith.constant 1 : i32
      %dma_start3A_126 = arith.constant 0 : i32
      %dma_start3A_127 = arith.constant 0 : i32
      %dma_start3A_128 = tpu.memref_slice %arg12[%dma_start3A_125, %dma_start3A_126, %dma_start3A_127] : memref<2x128x32xf32, #tpu.memory_space<vmem>> -> memref<1x128x32xf32, #tpu.memory_space<vmem>>
      %dma_start3A_129 = tpu.memref_squeeze %dma_start3A_128 : memref<1x128x32xf32, #tpu.memory_space<vmem>> -> memref<128x32xf32, #tpu.memory_space<vmem>>
      %dma_start3A_130 = arith.constant 0 : i32
      %dma_start3A_131 = tpu.memref_slice %arg10[%add3A_124, %dma_start3A_130] : memref<163840x32xf32, #tpu.memory_space<hbm>> -> memref<128x32xf32, #tpu.memory_space<hbm>>
      %dma_start3A_132 = arith.constant 0 : i32
      %dma_start3A_133 = tpu.memref_slice %arg10[%add3A_124, %dma_start3A_132] : memref<163840x32xf32, #tpu.memory_space<hbm>> -> memref<128x32xf32, #tpu.memory_space<hbm>>
      %dma_start3A_134 = arith.constant 0 : i32
      %dma_start3A_135 = arith.constant 0 : i32
      %dma_start3A_136 = tpu.memref_slice %arg12[%dma_start3A_125, %dma_start3A_134, %dma_start3A_135] : memref<2x128x32xf32, #tpu.memory_space<vmem>> -> memref<1x128x32xf32, #tpu.memory_space<vmem>>
      %dma_start3A_137 = tpu.memref_squeeze %dma_start3A_136 : memref<1x128x32xf32, #tpu.memory_space<vmem>> -> memref<128x32xf32, #tpu.memory_space<vmem>>
      tpu.enqueue_dma source(%dma_start3A_137 : memref<128x32xf32, #tpu.memory_space<vmem>>) target(%dma_start3A_133 : memref<128x32xf32, #tpu.memory_space<hbm>>) target_semaphore(%arg16 : memref<!tpu.dma_semaphore, #tpu.memory_space<semaphore_mem>>)
      %lt3A_138 = arith.constant 19 : i32
      %lt3A_139 = arith.cmpi slt, %scan3A_66, %lt3A_138 : i32
      %convert_element_type3A_140 = arith.extui %lt3A_139 : i1 to i32
      %cond3A_141 = arith.constant 0 : i32
      %cond3A_142 = arith.cmpi ne, %convert_element_type3A_140, %cond3A_141 : i32
      scf.if %cond3A_142 {
        %dma_wait3A_143 = arith.constant 1 : i32
        %dma_wait3A_144 = arith.constant 0 : i32
        %dma_wait3A_145 = arith.constant 0 : i32
        %dma_wait3A_146 = tpu.memref_slice %arg12[%dma_wait3A_143, %dma_wait3A_144, %dma_wait3A_145] : memref<2x128x32xf32, #tpu.memory_space<vmem>> -> memref<1x128x32xf32, #tpu.memory_space<vmem>>
        %dma_wait3A_147 = tpu.memref_squeeze %dma_wait3A_146 : memref<1x128x32xf32, #tpu.memory_space<vmem>> -> memref<128x32xf32, #tpu.memory_space<vmem>>
        %dma_wait3A_148 = arith.constant 0 : i32
        %dma_wait3A_149 = tpu.memref_slice %arg10[%mul3A_12, %dma_wait3A_148] : memref<163840x32xf32, #tpu.memory_space<hbm>> -> memref<128x32xf32, #tpu.memory_space<hbm>>
        %dma_wait3A_150 = arith.constant 0 : i32
        %dma_wait3A_151 = arith.constant 0 : i32
        %dma_wait3A_152 = tpu.memref_slice %arg12[%dma_wait3A_143, %dma_wait3A_150, %dma_wait3A_151] : memref<2x128x32xf32, #tpu.memory_space<vmem>> -> memref<1x128x32xf32, #tpu.memory_space<vmem>>
        %dma_wait3A_153 = tpu.memref_squeeze %dma_wait3A_152 : memref<1x128x32xf32, #tpu.memory_space<vmem>> -> memref<128x32xf32, #tpu.memory_space<vmem>>
        %dma_wait3A_154 = arith.constant 0 : i32
        %dma_wait3A_155 = tpu.memref_slice %arg10[%mul3A_12, %dma_wait3A_154] : memref<163840x32xf32, #tpu.memory_space<hbm>> -> memref<128x32xf32, #tpu.memory_space<hbm>>
        tpu.wait_dma2 semaphore(%arg16 : memref<!tpu.dma_semaphore, #tpu.memory_space<semaphore_mem>>) src(%dma_wait3A_155 : memref<128x32xf32, #tpu.memory_space<hbm>>) dst(%dma_wait3A_153 : memref<128x32xf32, #tpu.memory_space<vmem>>)
        %add3A_156 = arith.constant 2 : i32
        %add3A_157 = arith.addi %add3A_108, %add3A_156 : i32
        %dma_start3A_158 = arith.constant 1 : i32
        %dma_start3A_159 = arith.constant 0 : i32
        %dma_start3A_160 = arith.constant 0 : i32
        %dma_start3A_161 = tpu.memref_slice %arg12[%dma_start3A_158, %dma_start3A_159, %dma_start3A_160] : memref<2x128x32xf32, #tpu.memory_space<vmem>> -> memref<1x128x32xf32, #tpu.memory_space<vmem>>
        %dma_start3A_162 = tpu.memref_squeeze %dma_start3A_161 : memref<1x128x32xf32, #tpu.memory_space<vmem>> -> memref<128x32xf32, #tpu.memory_space<vmem>>
        %dma_start3A_163 = arith.constant 0 : i32
        %dma_start3A_164 = tpu.memref_slice %arg11[%add3A_157, %dma_start3A_163] : memref<40x128xi32, #tpu.memory_space<vmem>> -> memref<1x128xi32, #tpu.memory_space<vmem>>
        %dma_start3A_165 = tpu.memref_squeeze %dma_start3A_164 : memref<1x128xi32, #tpu.memory_space<vmem>> -> memref<128xi32, #tpu.memory_space<vmem>>
        %dma_start3A_166 = arith.constant 0 : i32
        %dma_start3A_167 = arith.constant 0 : i32
        %dma_start3A_168 = tpu.memref_slice %arg7[%dma_start3A_166, %dma_start3A_167] : memref<1000000x32xf32, #tpu.memory_space<hbm>> -> memref<1000000x32xf32, #tpu.memory_space<hbm>>
        tpu.enqueue_indirect_dma source(%dma_start3A_168 : memref<1000000x32xf32, #tpu.memory_space<hbm>>) target(%dma_start3A_162 : memref<128x32xf32, #tpu.memory_space<vmem>>) offsets(%dma_start3A_165 : memref<128xi32, #tpu.memory_space<vmem>>) semaphore(%arg14 : memref<!tpu.dma_semaphore, #tpu.memory_space<semaphore_mem>>)
      } else {
      }
    }
    %scan3A_40 = arith.constant 20 : i32
    %dma_wait3A = arith.constant 0 : i32
    %dma_wait3A_41 = arith.constant 0 : i32
    %dma_wait3A_42 = arith.constant 0 : i32
    %dma_wait3A_43 = tpu.memref_slice %arg12[%dma_wait3A, %dma_wait3A_41, %dma_wait3A_42] : memref<2x128x32xf32, #tpu.memory_space<vmem>> -> memref<1x128x32xf32, #tpu.memory_space<vmem>>
    %dma_wait3A_44 = tpu.memref_squeeze %dma_wait3A_43 : memref<1x128x32xf32, #tpu.memory_space<vmem>> -> memref<128x32xf32, #tpu.memory_space<vmem>>
    %dma_wait3A_45 = arith.constant 0 : i32
    %dma_wait3A_46 = tpu.memref_slice %arg10[%mul3A_12, %dma_wait3A_45] : memref<163840x32xf32, #tpu.memory_space<hbm>> -> memref<128x32xf32, #tpu.memory_space<hbm>>
    %dma_wait3A_47 = arith.constant 0 : i32
    %dma_wait3A_48 = arith.constant 0 : i32
    %dma_wait3A_49 = tpu.memref_slice %arg12[%dma_wait3A, %dma_wait3A_47, %dma_wait3A_48] : memref<2x128x32xf32, #tpu.memory_space<vmem>> -> memref<1x128x32xf32, #tpu.memory_space<vmem>>
    %dma_wait3A_50 = tpu.memref_squeeze %dma_wait3A_49 : memref<1x128x32xf32, #tpu.memory_space<vmem>> -> memref<128x32xf32, #tpu.memory_space<vmem>>
    %dma_wait3A_51 = arith.constant 0 : i32
    %dma_wait3A_52 = tpu.memref_slice %arg10[%mul3A_12, %dma_wait3A_51] : memref<163840x32xf32, #tpu.memory_space<hbm>> -> memref<128x32xf32, #tpu.memory_space<hbm>>
    tpu.wait_dma2 semaphore(%arg15 : memref<!tpu.dma_semaphore, #tpu.memory_space<semaphore_mem>>) src(%dma_wait3A_52 : memref<128x32xf32, #tpu.memory_space<hbm>>) dst(%dma_wait3A_50 : memref<128x32xf32, #tpu.memory_space<vmem>>)
    %dma_wait3A_53 = arith.constant 1 : i32
    %dma_wait3A_54 = arith.constant 0 : i32
    %dma_wait3A_55 = arith.constant 0 : i32
    %dma_wait3A_56 = tpu.memref_slice %arg12[%dma_wait3A_53, %dma_wait3A_54, %dma_wait3A_55] : memref<2x128x32xf32, #tpu.memory_space<vmem>> -> memref<1x128x32xf32, #tpu.memory_space<vmem>>
    %dma_wait3A_57 = tpu.memref_squeeze %dma_wait3A_56 : memref<1x128x32xf32, #tpu.memory_space<vmem>> -> memref<128x32xf32, #tpu.memory_space<vmem>>
    %dma_wait3A_58 = arith.constant 0 : i32
    %dma_wait3A_59 = tpu.memref_slice %arg10[%mul3A_12, %dma_wait3A_58] : memref<163840x32xf32, #tpu.memory_space<hbm>> -> memref<128x32xf32, #tpu.memory_space<hbm>>
    %dma_wait3A_60 = arith.constant 0 : i32
    %dma_wait3A_61 = arith.constant 0 : i32
    %dma_wait3A_62 = tpu.memref_slice %arg12[%dma_wait3A_53, %dma_wait3A_60, %dma_wait3A_61] : memref<2x128x32xf32, #tpu.memory_space<vmem>> -> memref<1x128x32xf32, #tpu.memory_space<vmem>>
    %dma_wait3A_63 = tpu.memref_squeeze %dma_wait3A_62 : memref<1x128x32xf32, #tpu.memory_space<vmem>> -> memref<128x32xf32, #tpu.memory_space<vmem>>
    %dma_wait3A_64 = arith.constant 0 : i32
    %dma_wait3A_65 = tpu.memref_slice %arg10[%mul3A_12, %dma_wait3A_64] : memref<163840x32xf32, #tpu.memory_space<hbm>> -> memref<128x32xf32, #tpu.memory_space<hbm>>
    tpu.wait_dma2 semaphore(%arg16 : memref<!tpu.dma_semaphore, #tpu.memory_space<semaphore_mem>>) src(%dma_wait3A_65 : memref<128x32xf32, #tpu.memory_space<hbm>>) dst(%dma_wait3A_63 : memref<128x32xf32, #tpu.memory_space<vmem>>)
    return
  }
}

module attributes {stable_mosaic.version = 14 : i64} {
  func.func @_tc_body(%arg0: i32, %arg1: memref<512x32xf32, #tpu.memory_space<vmem>>, %arg2: memref<512x32xf32, #tpu.memory_space<vmem>>, %arg3: memref<5120x32xf32, #tpu.memory_space<vmem>>, %arg4: memref<64x64xf32, #tpu.memory_space<vmem>>, %arg5: memref<1x64xf32, #tpu.memory_space<vmem>>, %arg6: memref<64x16xf32, #tpu.memory_space<vmem>>, %arg7: memref<1x16xf32, #tpu.memory_space<vmem>>, %arg8: memref<16x8xf32, #tpu.memory_space<vmem>>, %arg9: memref<1x8xf32, #tpu.memory_space<vmem>>, %arg10: memref<1x32xf32, #tpu.memory_space<vmem>>, %arg11: memref<1x8xf32, #tpu.memory_space<vmem>>, %arg12: memref<1x1xf32, #tpu.memory_space<vmem>>, %arg13: memref<5632x1xf32, #tpu.memory_space<vmem>>) attributes {dimension_semantics = [#tpu.dimension_semantics<arbitrary>], iteration_bounds = array<i64: 32>, scalar_prefetch = 0 : i64, scratch_operands = 0 : i64, tpu.core_type = #tpu.core_type<tc>, window_params = [{transform_indices = @transform_0, window_bounds = array<i64: 512, 32>}, {transform_indices = @transform_1, window_bounds = array<i64: 512, 32>}, {transform_indices = @transform_2, window_bounds = array<i64: 5120, 32>}, {pipeline_mode = #tpu.pipeline_mode<synchronous>, transform_indices = @transform_3, window_bounds = array<i64: 64, 64>}, {pipeline_mode = #tpu.pipeline_mode<synchronous>, transform_indices = @transform_4, window_bounds = array<i64: 1, 64>}, {pipeline_mode = #tpu.pipeline_mode<synchronous>, transform_indices = @transform_5, window_bounds = array<i64: 64, 16>}, {pipeline_mode = #tpu.pipeline_mode<synchronous>, transform_indices = @transform_6, window_bounds = array<i64: 1, 16>}, {pipeline_mode = #tpu.pipeline_mode<synchronous>, transform_indices = @transform_7, window_bounds = array<i64: 16, 8>}, {pipeline_mode = #tpu.pipeline_mode<synchronous>, transform_indices = @transform_8, window_bounds = array<i64: 1, 8>}, {pipeline_mode = #tpu.pipeline_mode<synchronous>, transform_indices = @transform_9, window_bounds = array<i64: 1, 32>}, {pipeline_mode = #tpu.pipeline_mode<synchronous>, transform_indices = @transform_10, window_bounds = array<i64: 1, 8>}, {pipeline_mode = #tpu.pipeline_mode<synchronous>, transform_indices = @transform_11, window_bounds = array<i64: 1, 1>}, {transform_indices = @transform_12, window_bounds = array<i64: 5632, 1>}]} {
    %get3A = arith.constant 0 : index
    %get3A_0 = arith.constant 0 : index
    %get3A_1 = vector.load %arg1[%get3A, %get3A_0] : memref<512x32xf32, #tpu.memory_space<vmem>>, vector<512x32xf32>
    %get3A_2 = arith.constant 0 : index
    %get3A_3 = arith.constant 0 : index
    %get3A_4 = vector.load %arg2[%get3A_2, %get3A_3] : memref<512x32xf32, #tpu.memory_space<vmem>>, vector<512x32xf32>
    %get3A_5 = arith.constant 0 : index
    %get3A_6 = arith.constant 0 : index
    %get3A_7 = vector.load %arg3[%get3A_5, %get3A_6] : memref<5120x32xf32, #tpu.memory_space<vmem>>, vector<5120x32xf32>
    %broadcast_in_dim3A = vector.shape_cast %get3A_1 : vector<512x32xf32> to vector<512x1x32xf32>
    %broadcast_in_dim3A_8 = vector.shape_cast %broadcast_in_dim3A : vector<512x1x32xf32> to vector<512x1x32xf32>
    %broadcast_in_dim3A_9 = vector.broadcast %broadcast_in_dim3A_8 : vector<512x1x32xf32> to vector<512x10x32xf32>
    %reshape3A = vector.shape_cast %broadcast_in_dim3A_9 : vector<512x10x32xf32> to vector<5120x32xf32>
    %concatenate3A = tpu.concatenate %get3A_1, %reshape3A in 0 : vector<512x32xf32>, vector<5120x32xf32> -> vector<5632x32xf32>
    %concatenate3A_10 = tpu.concatenate %get3A_4, %get3A_7 in 0 : vector<512x32xf32>, vector<5120x32xf32> -> vector<5632x32xf32>
    %concatenate3A_11 = tpu.concatenate %concatenate3A, %concatenate3A_10 in 1 : vector<5632x32xf32>, vector<5632x32xf32> -> vector<5632x64xf32>
    %get3A_12 = arith.constant 0 : index
    %get3A_13 = arith.constant 0 : index
    %get3A_14 = vector.load %arg4[%get3A_12, %get3A_13] : memref<64x64xf32, #tpu.memory_space<vmem>>, vector<64x64xf32>
    %dot_general3A = arith.constant dense<0.000000e+00> : vector<5632x64xf32>
    %dot_general3A_15 = tpu.matmul %concatenate3A_11, %get3A_14, %dot_general3A {dimension_numbers = #tpu.dot_dimension_numbers<[1], [0], [0], [1], [0, 0, 1, 1], [], []>, transpose_lhs_hint = false} : vector<5632x64xf32>, vector<64x64xf32>, vector<5632x64xf32> -> vector<5632x64xf32>
    %get3A_16 = arith.constant 0 : index
    %get3A_17 = arith.constant 0 : index
    %get3A_18 = vector.load %arg5[%get3A_16, %get3A_17] : memref<1x64xf32, #tpu.memory_space<vmem>>, vector<1x64xf32>
    %add3A = vector.broadcast %get3A_18 : vector<1x64xf32> to vector<5632x64xf32>
    %add3A_19 = arith.addf %dot_general3A_15, %add3A : vector<5632x64xf32>
    %max3A = arith.constant 0.000000e+00 : f32
    %max3A_20 = vector.broadcast %max3A : f32 to vector<5632x64xf32>
    %max3A_21 = arith.maximumf %add3A_19, %max3A_20 : vector<5632x64xf32>
    %get3A_22 = arith.constant 0 : index
    %get3A_23 = arith.constant 0 : index
    %get3A_24 = vector.load %arg6[%get3A_22, %get3A_23] : memref<64x16xf32, #tpu.memory_space<vmem>>, vector<64x16xf32>
    %dot_general3A_25 = arith.constant dense<0.000000e+00> : vector<5632x16xf32>
    %dot_general3A_26 = tpu.matmul %max3A_21, %get3A_24, %dot_general3A_25 {dimension_numbers = #tpu.dot_dimension_numbers<[1], [0], [0], [1], [0, 0, 1, 1], [], []>, transpose_lhs_hint = false} : vector<5632x64xf32>, vector<64x16xf32>, vector<5632x16xf32> -> vector<5632x16xf32>
    %get3A_27 = arith.constant 0 : index
    %get3A_28 = arith.constant 0 : index
    %get3A_29 = vector.load %arg7[%get3A_27, %get3A_28] : memref<1x16xf32, #tpu.memory_space<vmem>>, vector<1x16xf32>
    %add3A_30 = vector.broadcast %get3A_29 : vector<1x16xf32> to vector<5632x16xf32>
    %add3A_31 = arith.addf %dot_general3A_26, %add3A_30 : vector<5632x16xf32>
    %max3A_32 = arith.constant 0.000000e+00 : f32
    %max3A_33 = vector.broadcast %max3A_32 : f32 to vector<5632x16xf32>
    %max3A_34 = arith.maximumf %add3A_31, %max3A_33 : vector<5632x16xf32>
    %get3A_35 = arith.constant 0 : index
    %get3A_36 = arith.constant 0 : index
    %get3A_37 = vector.load %arg8[%get3A_35, %get3A_36] : memref<16x8xf32, #tpu.memory_space<vmem>>, vector<16x8xf32>
    %dot_general3A_38 = arith.constant dense<0.000000e+00> : vector<5632x8xf32>
    %dot_general3A_39 = tpu.matmul %max3A_34, %get3A_37, %dot_general3A_38 {dimension_numbers = #tpu.dot_dimension_numbers<[1], [0], [0], [1], [0, 0, 1, 1], [], []>, transpose_lhs_hint = false} : vector<5632x16xf32>, vector<16x8xf32>, vector<5632x8xf32> -> vector<5632x8xf32>
    %get3A_40 = arith.constant 0 : index
    %get3A_41 = arith.constant 0 : index
    %get3A_42 = vector.load %arg9[%get3A_40, %get3A_41] : memref<1x8xf32, #tpu.memory_space<vmem>>, vector<1x8xf32>
    %add3A_43 = vector.broadcast %get3A_42 : vector<1x8xf32> to vector<5632x8xf32>
    %add3A_44 = arith.addf %dot_general3A_39, %add3A_43 : vector<5632x8xf32>
    %max3A_45 = arith.constant 0.000000e+00 : f32
    %max3A_46 = vector.broadcast %max3A_45 : f32 to vector<5632x8xf32>
    %max3A_47 = arith.maximumf %add3A_44, %max3A_46 : vector<5632x8xf32>
    %mul3A = arith.mulf %concatenate3A, %concatenate3A_10 : vector<5632x32xf32>
    %logistic3A = arith.negf %mul3A : vector<5632x32xf32>
    %logistic3A_48 = math.exp %logistic3A : vector<5632x32xf32>
    %logistic3A_49 = arith.constant 1.000000e+00 : f32
    %logistic3A_50 = vector.broadcast %logistic3A_49 : f32 to vector<5632x32xf32>
    %logistic3A_51 = arith.addf %logistic3A_50, %logistic3A_48 : vector<5632x32xf32>
    %logistic3A_52 = arith.divf %logistic3A_50, %logistic3A_51 : vector<5632x32xf32>
    %get3A_53 = arith.constant 0 : index
    %get3A_54 = arith.constant 0 : index
    %get3A_55 = vector.load %arg10[%get3A_53, %get3A_54] : memref<1x32xf32, #tpu.memory_space<vmem>>, vector<1x32xf32>
    %mul3A_56 = vector.broadcast %get3A_55 : vector<1x32xf32> to vector<5632x32xf32>
    %mul3A_57 = arith.mulf %logistic3A_52, %mul3A_56 : vector<5632x32xf32>
    %reduce_sum3A = arith.constant dense<0.000000e+00> : vector<5632xf32>
    %reduce_sum3A_58 = vector.multi_reduction <add>, %mul3A_57, %reduce_sum3A [1] : vector<5632x32xf32> to vector<5632xf32>
    %broadcast_in_dim3A_59 = vector.shape_cast %reduce_sum3A_58 : vector<5632xf32> to vector<5632x1xf32>
    %get3A_60 = arith.constant 0 : index
    %get3A_61 = arith.constant 0 : index
    %get3A_62 = vector.load %arg11[%get3A_60, %get3A_61] : memref<1x8xf32, #tpu.memory_space<vmem>>, vector<1x8xf32>
    %mul3A_63 = vector.broadcast %get3A_62 : vector<1x8xf32> to vector<5632x8xf32>
    %mul3A_64 = arith.mulf %max3A_47, %mul3A_63 : vector<5632x8xf32>
    %reduce_sum3A_65 = arith.constant dense<0.000000e+00> : vector<5632xf32>
    %reduce_sum3A_66 = vector.multi_reduction <add>, %mul3A_64, %reduce_sum3A_65 [1] : vector<5632x8xf32> to vector<5632xf32>
    %broadcast_in_dim3A_67 = vector.shape_cast %reduce_sum3A_66 : vector<5632xf32> to vector<5632x1xf32>
    %add3A_68 = arith.addf %broadcast_in_dim3A_59, %broadcast_in_dim3A_67 : vector<5632x1xf32>
    %get3A_69 = arith.constant 0 : index
    %get3A_70 = arith.constant 0 : index
    %get3A_71 = vector.load %arg12[%get3A_69, %get3A_70] : memref<1x1xf32, #tpu.memory_space<vmem>>, vector<1x1xf32>
    %get3A_72 = vector.extract %get3A_71[0, 0] : f32 from vector<1x1xf32>
    %add3A_73 = vector.broadcast %get3A_72 : f32 to vector<5632x1xf32>
    %add3A_74 = arith.addf %add3A_68, %add3A_73 : vector<5632x1xf32>
    %swap3A = arith.constant 0 : index
    %swap3A_75 = arith.constant 0 : index
    %swap3A_76 = vector.load %arg13[%swap3A, %swap3A_75] : memref<5632x1xf32, #tpu.memory_space<vmem>>, vector<5632x1xf32>
    tpu.vector_store %arg13[%swap3A, %swap3A_75], %add3A_74 {strides = array<i32>} : memref<5632x1xf32, #tpu.memory_space<vmem>>, vector<5632x1xf32>,
    return
  }
  func.func @transform_0(%arg0: i32) -> (i32, i32) {
    %c0_i32 = arith.constant 0 : i32
    %c0_i32_0 = arith.constant 0 : i32
    return %arg0, %c0_i32 : i32, i32
  }
  func.func @transform_1(%arg0: i32) -> (i32, i32) {
    %c0_i32 = arith.constant 0 : i32
    %c0_i32_0 = arith.constant 0 : i32
    return %arg0, %c0_i32 : i32, i32
  }
  func.func @transform_2(%arg0: i32) -> (i32, i32) {
    %c0_i32 = arith.constant 0 : i32
    %c0_i32_0 = arith.constant 0 : i32
    return %arg0, %c0_i32 : i32, i32
  }
  func.func @transform_3(%arg0: i32) -> (i32, i32) {
    %c0_i32 = arith.constant 0 : i32
    %c0_i32_0 = arith.constant 0 : i32
    %c0_i32_1 = arith.constant 0 : i32
    return %c0_i32, %c0_i32_0 : i32, i32
  }
  func.func @transform_4(%arg0: i32) -> (i32, i32) {
    %c0_i32 = arith.constant 0 : i32
    %c0_i32_0 = arith.constant 0 : i32
    %c0_i32_1 = arith.constant 0 : i32
    return %c0_i32, %c0_i32_0 : i32, i32
  }
  func.func @transform_5(%arg0: i32) -> (i32, i32) {
    %c0_i32 = arith.constant 0 : i32
    %c0_i32_0 = arith.constant 0 : i32
    %c0_i32_1 = arith.constant 0 : i32
    return %c0_i32, %c0_i32_0 : i32, i32
  }
  func.func @transform_6(%arg0: i32) -> (i32, i32) {
    %c0_i32 = arith.constant 0 : i32
    %c0_i32_0 = arith.constant 0 : i32
    %c0_i32_1 = arith.constant 0 : i32
    return %c0_i32, %c0_i32_0 : i32, i32
  }
  func.func @transform_7(%arg0: i32) -> (i32, i32) {
    %c0_i32 = arith.constant 0 : i32
    %c0_i32_0 = arith.constant 0 : i32
    %c0_i32_1 = arith.constant 0 : i32
    return %c0_i32, %c0_i32_0 : i32, i32
  }
  func.func @transform_8(%arg0: i32) -> (i32, i32) {
    %c0_i32 = arith.constant 0 : i32
    %c0_i32_0 = arith.constant 0 : i32
    %c0_i32_1 = arith.constant 0 : i32
    return %c0_i32, %c0_i32_0 : i32, i32
  }
  func.func @transform_9(%arg0: i32) -> (i32, i32) {
    %c0_i32 = arith.constant 0 : i32
    %c0_i32_0 = arith.constant 0 : i32
    %c0_i32_1 = arith.constant 0 : i32
    return %c0_i32, %c0_i32_0 : i32, i32
  }
  func.func @transform_10(%arg0: i32) -> (i32, i32) {
    %c0_i32 = arith.constant 0 : i32
    %c0_i32_0 = arith.constant 0 : i32
    %c0_i32_1 = arith.constant 0 : i32
    return %c0_i32, %c0_i32_0 : i32, i32
  }
  func.func @transform_11(%arg0: i32) -> (i32, i32) {
    %c0_i32 = arith.constant 0 : i32
    %c0_i32_0 = arith.constant 0 : i32
    %c0_i32_1 = arith.constant 0 : i32
    return %c0_i32, %c0_i32_0 : i32, i32
  }
  func.func @transform_12(%arg0: i32) -> (i32, i32) {
    %c0_i32 = arith.constant 0 : i32
    %c0_i32_0 = arith.constant 0 : i32
    return %arg0, %c0_i32 : i32, i32
  }
}

</mosaic_0001>

<sc_bundles>
// kernel: kernel.4.cloned.1.call-start
scs
__scs_entry_jumppad:
0x0: {  	(pc) =	sbr.rel $0x88, $3  }
0x1: {  	(tag) =	ssettag $0x0;
	lr =	simm.s32 $0x1  }
0x2: {  	[smem:$0x3F93] =	sst lr;
	_ =	strace $0xD0000000  }
0x3: {  	_ = 	snop  }
0x4: {  	_ = 	snop  }
0x5: {  	_ = 	snop  }
0x6: {  	_ = 	snop  }
0x7: {  	_ = 	snop  }
__scs_overlays_trampoline_lowered:
0x8: {  	[smem:$0x3FA2] =	sst s0  }
0x9: {  	[smem:$0x3FA3] =	sst s1  }
0xa: {  	[smem:$0x3FA4] =	sst s2  }
0xb: {  	[smem:$0x3FA5] =	sst s3  }
0xc: {  	[smem:$0x3FA6] =	sst s4  }
0xd: {  	[smem:$0x3FA7] =	sst s5  }
0xe: {  	[smem:$0x3FA8] =	sst s6  }
0xf: {  	[smem:$0x3FA9] =	sst s7  }
0x10: {  	[smem:$0x3FAA] =	sst s8  }
0x11: {  	[smem:$0x3FAB] =	sst s9;
	s0 =	simm.s32 @!p0 $0x0  }
0x12: {  	s1 =	sld [smem:$0x3F91];
	s0 =	simm.s32 @p0 $0x1  }
0x13: {  	[smem:$0x3FAC] =	sst s0;
	s0 =	simm.s32 @!p1 $0x0  }
0x14: {  	s2 =	sld [smem:$0x3F90];
	s0 =	simm.s32 @p1 $0x1  }
0x15: {  	[smem:$0x3FAD] =	sst s0;
	s0 =	simm.s32 @!p2 $0x0  }
0x16: {  	s3 =	sld [smem:$0x3FDB];
	s0 =	simm.s32 @p2 $0x1  }
0x17: {  	s4 =	simm.s32 $0x1BF5;
	[smem:$0x3FAF] =	sst s0  }
0x18: {  	s0 =	sld [smem:$0x3F92];
	_ =	swait.ge [sflag:s4], $0x0  }
0x19: {  	s7 =	sld [smem:$0x3F93]  }
0x1a: {  	s8 =	sadd.s32 $0xFFFFE003, lr  }
0x1b: {  	s9 =	sadd.s32 $0xFFFFFEF7, lr;
	s5 =	simm.s32 $0xFFFFFFFF;
	p2 =	slt.u32 s8, $0xFFFFF086  }
0x1c: {  	p1 =	slt.u32 s9, $0xF7A;
	s5 =	simm.s32 @!p2 $0x0  }
0x1d: {  	s5 =	simm.s32 @p1 $0x1;
	p0 =	seq.s32 s7, s2  }
0x1e: {  	s7 =	smul.u32 @!p0 $0xF7A, s2;
	p2 =	seq.s32 @!p0 s5, $0x0  }
0x1f: {  	s9 =	smul.u32 $0xF7A, s1;
	s8 =	simm.s32 @!p0 $0x1BF5;
	p2 =	por !p2, p0  }
0x20: {  	[sflag:s8] =	ssyncset.s32 @!p0 $0xFFFFF086;
	s6 =	sadd.s32 @!p0 s3, s7;
	s7 =	simm.s32 @!p0 $0x108  }
0x21: {  	s3 =	sadd.s32 s3, s9;
	s6 =	sadd.s32 @!p0 $0x88, s6;
	s7 =	simm.s32 @p2 $0x1082  }
0x22: {  	[simem:s7], [sflag:s8] =	dma.local @!p0 [hbm:s6], $0xF7A  }
0x23: {  	s9 =	sor.u32 $0xD0000000, s2;
	s6 =	simm.s32 $0x108;
	_ =	swait.ge @!p0 [sflag:s8], $0x0  }
0x24: {  	s3 =	sadd.s32 $0x88, s3;
	s6 =	simm.s32 @!p1 $0x1082;
	[sflag:s4] =	ssyncset.s32 $0xFFFFF086  }
0x25: {  	[simem:s6], [sflag:s4] =	dma.local [hbm:s3], $0xF7A  }
0x26: {  	[smem:$0x3F93] =	sst s1;
	(tag) =	ssettag s2;
	_ =	strace s9  }
0x27: {  	s1 =	sld [smem:$0x3FA3]  }
0x28: {  	s2 =	sld [smem:$0x3FA4]  }
0x29: {  	s4 =	sld [smem:$0x3FA6]  }
0x2a: {  	p0 =	seq.s32 s5, $0x0;
	s5 =	sld [smem:$0x3FA7]  }
0x2b: {  	s6 =	sld [smem:$0x3FA8]  }
0x2c: {  	s7 =	sld [smem:$0x3FA9]  }
0x2d: {  	s3 =	simm.s32 $0x108;
	s8 =	sld [smem:$0x3FAA]  }
0x2e: {  	s3 =	simm.s32 @!p0 $0x1082;
	s9 =	sld [smem:$0x3FAB]  }
0x2f: {  	lr =	sadd.s32 s0, s3;
	s0 =	sld [smem:$0x3FA2]  }
0x30: {  	s3 =	sld [smem:$0x3FA5]  }
0x31: {  	[smem:$0x3FAE] =	sst s10  }
0x32: {  	s10 =	sld [smem:$0x3FAC];
	_ =	sdelay $0x3  }
0x33: {  	p0 =	seq.s32 s10, $0x1;
	s10 =	sld [smem:$0x3FAE];
	_ =	sdelay $0x3  }
0x34: {  	[smem:$0x3FAE] =	sst s10  }
0x35: {  	s10 =	sld [smem:$0x3FAD];
	_ =	sdelay $0x3  }
0x36: {  	p1 =	seq.s32 s10, $0x1;
	s10 =	sld [smem:$0x3FAE];
	_ =	sdelay $0x3  }
0x37: {  	[smem:$0x3FAE] =	sst s10  }
0x38: {  	s10 =	sld [smem:$0x3FAF]  }
0x39: {  	_ = 	snop;
	(pc) =	sbr.ind lr, $3  }
0x3a: {  	_ = 	snop  }
0x3b: {  	_ = 	snop  }
0x3c: {  	p2 =	seq.s32 s10, $0x1;
	s10 =	sld [smem:$0x3FAE]  }
0x3d: {  	_ =	shalt  }
0x3e: {  	_ =	shalt  }
0x3f: {  	_ =	shalt  }
0x40: {  	_ =	shalt  }
0x41: {  	_ =	shalt  }
0x42: {  	_ =	shalt  }
0x43: {  	_ =	shalt  }
0x44: {  	_ =	shalt  }
0x45: {  	_ =	shalt  }
0x46: {  	_ =	shalt  }
0x47: {  	_ =	shalt  }
0x48: {  	_ =	shalt  }
0x49: {  	_ =	shalt  }
0x4a: {  	_ =	shalt  }
0x4b: {  	_ =	shalt  }
0x4c: {  	_ =	shalt  }
0x4d: {  	_ =	shalt  }
0x4e: {  	_ =	shalt  }
0x4f: {  	_ =	shalt  }
0x50: {  	_ =	shalt  }
0x51: {  	_ =	shalt  }
0x52: {  	_ =	shalt  }
0x53: {  	_ =	shalt  }
0x54: {  	_ =	shalt  }
0x55: {  	_ =	shalt  }
0x56: {  	_ =	shalt  }
0x57: {  	_ =	shalt  }
0x58: {  	_ =	shalt  }
0x59: {  	_ =	shalt  }
0x5a: {  	_ =	shalt  }
0x5b: {  	_ =	shalt  }
0x5c: {  	_ =	shalt  }
0x5d: {  	_ =	shalt  }
0x5e: {  	_ =	shalt  }
0x5f: {  	_ =	shalt  }
0x60: {  	_ =	shalt  }
0x61: {  	_ =	shalt  }
0x62: {  	_ =	shalt  }
0x63: {  	_ =	shalt  }
0x64: {  	_ =	shalt  }
0x65: {  	_ =	shalt  }
0x66: {  	_ =	shalt  }
0x67: {  	_ =	shalt  }
0x68: {  	_ =	shalt  }
0x69: {  	_ =	shalt  }
0x6a: {  	_ =	shalt  }
0x6b: {  	_ =	shalt  }
0x6c: {  	_ =	shalt  }
0x6d: {  	_ =	shalt  }
0x6e: {  	_ =	shalt  }
0x6f: {  	_ =	shalt  }
0x70: {  	_ =	shalt  }
0x71: {  	_ =	shalt  }
0x72: {  	_ =	shalt  }
0x73: {  	_ =	shalt  }
0x74: {  	_ =	shalt  }
0x75: {  	_ =	shalt  }
0x76: {  	_ =	shalt  }
0x77: {  	_ =	shalt  }
0x78: {  	_ =	shalt  }
0x79: {  	_ =	shalt  }
0x7a: {  	_ =	shalt  }
0x7b: {  	_ =	shalt  }
0x7c: {  	_ =	shalt  }
0x7d: {  	_ =	shalt  }
0x7e: {  	_ =	shalt  }
0x7f: {  	_ =	shalt  }
0x80: {  	_ =	shalt  }
0x81: {  	_ =	shalt  }
0x82: {  	_ =	shalt  }
0x83: {  	_ =	shalt  }
0x84: {  	_ =	shalt  }
0x85: {  	_ =	shalt  }
0x86: {  	_ =	shalt  }
0x87: {  	_ =	shalt  }
.Lfunc_end0:
.L_simem_size_0:
called_computation_lowered:
.L_overlay_start_0:
0x88: {  	s2 =	sld [smem:$0x3FD9]  }
0x89: {  	s3 =	sld [smem:$0x3FFE];
	_ =	sdelay $0x1  }
0x8a: {  	s1 =	srdreg.scid  }
0x8b: {  	s0 =	sand.u32 $0x1, s1  }
0x8c: {  	s17 =	sshll.u32 s0, $0xA;
	s2 =	sadd.s32 s3, s2  }
0x8d: {  	s2 =	sadd.s32 s2, s17  }
0x8e: {  	[smem:$0x3FBA] =	sst s2  }
0x8f: {  	_ = 	snop  }
0x90: {  	s2 =	sld [smem:$0x3FC9]  }
0x91: {  	s18 =	sld [smem:$0x3FC8]  }
0x92: {  	s4 =	sld [smem:$0x3FD0];
	(tm) =	ssettm $0x1  }
0x93: {  	s5 =	sld [smem:$0x3FFB];
	_ =	sdelay $0x3  }
0x94: {  	_ =	strace s5  }
0x95: {  	s5 =	sld [smem:$0x3FFC];
	_ =	sdelay $0x3  }
0x96: {  	_ =	strace s5  }
0x97: {  	s5 =	sld [smem:$0x3FFD];
	_ =	sdelay $0x3  }
0x98: {  	_ =	strace s5  }
0x99: {  	_ =	strace $0x8FFFFFFF  }
0x9a: {  	s19 =	sld [smem:$0x3FDB];
	_ =	sdelay $0x1  }
0x9b: {  	s6 =	simm.s32 $_scs_section_size  }
0x9c: {  	s7 =	simm.s32 $_size__tile_overlayer_lowered;
	s8 =	simm.s32 $_tile_overlayer_lowered  }
0x9d: {  	s22 =	simm.s32 $0x1BFF;
	s21 =	sshll.u32 s8, $0x1;
	s5 =	sadd.s32 s6, s19  }
0x9e: {  	s9 =	simm.s32 $0x0;
	s20 =	sshll.u32 s7, $0x1;
	s7 =	sadd.s32 s21, s5  }
0x9f: {  	[timem:s9], [sflag:s22] =	dma.local [hbm:s7], s20  }
0xa0: {  	_ =	swait.ge [sflag:s22], s20  }
0xa1: {  	s6 =	ssub.s32 $0x0, s20;
	[sflag:s22] =	ssyncset.done $0x0  }
0xa2: {  	[sflag:s22] =	ssyncadd.s32 s6;
	_ =	sdelay $0x1  }
0xa3: {  	s23 =	simm.s32 $0x1B8B  }
0xa4: {  	_ =	swait.ge [sflag:s23], $0x1  }
0xa5: {  	[sflag:s23] =	ssyncset.done $0x0  }
0xa6: {  	s25 =	simm.s32 $0x1B8E;
	s24 =	sld [smem:$0x3FFE];
	[sflag:s23] =	ssyncadd.s32 $0xFFFFFFFF  }
0xa7: {  	s26 =	simm.s32 $execute0_lowered;
	[smem:$0x3FD2] =	sst s25  }
0xa8: {  	s7 =	sshll.u32 s26, $0x1;
	_ =	strace $0x80000046;
	[dreg:$0x1] =	wrdreg $0xFFFFFFFF  }
0xa9: {  	s28 =	simm.s32 $_size_execute0_lowered;
	s5 =	sadd.s32 s5, s7;
	[dreg:$0x0] =	wrdreg $0x0  }
0xaa: {  	s7 =	sshll.u32 s28, $0x1;
	[dreg:$0x2] =	wrdreg s5  }
0xab: {  	[dreg:$0x3] =	wrdreg s7  }
0xac: {  	[dreg:$0x4] =	wrdreg $0xC0  }
0xad: {  	_ =	task [dreg:s9], $0x5FFFF  }
0xae: {  	[dreg:$0x1] =	wrdreg $0xFFFFFFFF  }
0xaf: {  	[dreg:$0x0] =	wrdreg $0x60  }
0xb0: {  	[dreg:$0x2] =	wrdreg s2  }
0xb1: {  	[dreg:$0x3] =	wrdreg s18  }
0xb2: {  	[dreg:$0x4] =	wrdreg s4  }
0xb3: {  	[dreg:$0x5] =	wrdreg s24  }
0xb4: {  	[dreg:$0x6] =	wrdreg $0x9  }
0xb5: {  	_ =	task.clear_ibuf [dreg:s9], $0x7FFFF;
	_ =	strace $0x90000046  }
0xb6: {  	s29 =	simm.s32 $0x9;
	_ =	strace $0x80000048  }
0xb7: {  	_ =	swait.ge [sflag:s29], $0x1  }
0xb8: {  	[sflag:s29] =	ssyncadd.s32 $0xFFFFFFFF  }
0xb9: {  	_ =	strace $0x90000048  }
0xba: {  	_ =	sfence  }
0xbb: {  	s30 =	sld [smem:$0x0];
	_ =	sdelay $0x2  }
0xbc: {  	s31 =	sshll.u32 s1, $0xD;
	s1 =	sshrl.u32 s1, $0x2  }
0xbd: {  	s3 =	sand.u32 $0x4000, s31;
	s1 =	sadd.s32 s1, s30  }
0xbe: {  	s0 =	sor.u32 s3, s0;
	s1 =	sshll.u32 s1, $0x11  }
0xbf: {  	s0 =	sor.u32 s1, s0  }
0xc0: {  	s0 =	sadd.s32 $0x8F2B, s0  }
0xc1: {  	[sflag:s0] =	ssyncadd.remote.s32 $0x1  }
0xc2: {  	_ =	sfence.sel $0xFFFF  }
0xc3: {  	[dreg:$0x0] =	wrdreg $0xFFFFFFFF;
	(pc) =	sbr.abs _section_cstart, $3  }
0xc4: {  	[dreg:$0x1] =	wrdreg $0xFFFFFFFF  }
0xc5: {  	_ =	task.clear_ibuf [dreg:s9], $0x2FFFF;
	_ =	strace $0x9FFFFFFF  }
0xc6: {  	(tm) =	ssettm $0x7FFFFFFF  }
0xc7: {  	_ =	shalt  }
tec
execute0_lowered:
.L_overlay_start_1:
0x0: {  	(tag) =	ssettag $0x1  }
0x1: {  	s0 =	rddreg [dreg:$0x0]  }
0x2: {  	s1 =	rddreg [dreg:$0x1]  }
0x3: {  	s6 =	rddreg [dreg:$0x2]  }
0x4: {  	s7 =	rddreg [dreg:$0x3]  }
0x5: {  	s2 =	simm.s32 $0x0;
	s3 =	srdreg.scid;
	s17 =	stileid.u32  }
0x6: {  	s31 =	simm.s32 $0x5;
	[smem:$0x7FF] =	sst s2;
	s8 =	sand.u32 $0x1, s3  }
0x7: {  	s4 =	sshll.u32 s17, $0x1;
	s3 =	sadd.s32 $0x16E4C00, s7;
	s5 =	sadd.s32 $0xF43800, s7  }
0x8: {  	s26 =	smul.u32 $0x50000, s17;
	p0 =	sgt.u32 s17, $0x7;
	_ =	strace $0x80000047  }
0x9: {  	s9 =	sor.u32 s8, s4;
	s4 =	sadd.s32 $0x1314200, s7;
	s19 =	ssub.s32 $0x2, s8  }
0xa: {  	s10 =	sadd.s32 $0xFFFFFFF0, s9;
	s11 =	sshll.u32 s9, $0xC;
	s16 =	smul.u32 $0x280, s9  }
0xb: {  	s14 =	sshrl.u32 s19, $0x1;
	s15 =	sshll.u32 s9, $0x7;
	s22 =	smul.u32 $0x28000, s9  }
0xc: {  	s9 =	smul.u32 $0x5000, s9;
	s12 =	sshll.u32 s10, $0xC;
	s13 =	sadd.s32 s11, s7  }
0xd: {  	s10 =	sshll.u32 s10, $0x7;
	s11 =	ssub.s32 s19, s14;
	s0 =	sadd.s32 s0, s15  }
0xe: {  	s19 =	smul.u32 $0xA000, s17;
	s17 =	simm.s32 $0x300;
	s12 =	sadd.s32 s12, s7  }
0xf: {  	s7 =	sadd.s32 $0x1400, s7;
	[dreg:$0x6] =	wrdreg s0;
	s20 =	sadd.s32 $0xB1400, s13  }
0x10: {  	s10 =	sand.u32 $0x1FFFFF80, s10;
	s21 =	sadd.s32 $0xB2200, s13;
	[dreg:$0x7] =	wrdreg s20  }
0x11: {  	s11 =	smax.u32 s11, $0x1;
	s1 =	sadd.s32 s1, s10;
	[dreg:$0x8] =	wrdreg s21  }
0x12: {  	s0 =	sshrl.u32 s22, $0x3;
	s23 =	sadd.s32 $0xA1400, s12;
	[dreg:$0x5] =	wrdreg s1  }
0x13: {  	s10 =	sadd.s32 s6, s16;
	s24 =	sadd.s32 $0xA1600, s12;
	[dreg:$0x9] =	wrdreg s23  }
0x14: {  	s25 =	sadd.s32 $0xA1800, s12;
	s14 =	sadd.s32 $0xA1A00, s12;
	[dreg:$0xa] =	wrdreg s24  }
0x15: {  	s15 =	sadd.s32 $0xA1C00, s12;
	s16 =	smul.u32 $0x28000, s8;
	[dreg:$0xb] =	wrdreg s25  }
0x16: {  	s18 =	sadd.s32 $0xA1E00, s12;
	s0 =	sadd.s32 s7, s0;
	[dreg:$0xc] =	wrdreg s14  }
0x17: {  	s9 =	sadd.s32 s9, s7;
	s8 =	smul.u32 $0x5000, s8;
	[dreg:$0xd] =	wrdreg s15  }
0x18: {  	s20 =	sadd.s32 s19, s7;
	s21 =	sadd.s32 $0xA2000, s12;
	[dreg:$0xe] =	wrdreg s18  }
0x19: {  	s22 =	sadd.s32 $0xA2200, s12;
	s6 =	simm.s32 $0x2400;
	[dreg:$0xf] =	wrdreg s21  }
0x1a: {  	s12 =	simm.s32 $0x2;
	s19 =	simm.s32 $0x380;
	[dreg:$0x10] =	wrdreg s22  }
0x1b: {  	s23 =	sadd.s32 $0xB1600, s13;
	s24 =	sadd.s32 $0xB1800, s13;
	s25 =	sadd.s32 $0xB1A00, s13  }
0x1c: {  	s22 =	sadd.s32 $0xB2000, s13;
	s28 =	sadd.s32 $0x4C00, s0;
	s29 =	sadd.s32 $0x4E00, s9  }
0x1d: {  	s0 =	simm.s32 $0x80;
	s9 =	simm.s32 $0x100;
	[dreg:$0x11] =	wrdreg s23  }
0x1e: {  	s14 =	simm.s32 $0x180;
	s15 =	simm.s32 $0x200;
	[dreg:$0x12] =	wrdreg s24  }
0x1f: {  	s21 =	simm.s32 $0x0;
	s1 =	sadd.s32 s16, s26;
	[dreg:$0x13] =	wrdreg s25  }
0x20: {  	s26 =	sadd.s32 $0xB1C00, s13;
	s25 =	sadd.s32 $0xB1E00, s13;
	s13 =	simm.s32 $0x4  }
0x21: {  	s16 =	simm.s32 $0x280;
	s1 =	sshrl.u32 s1, $0x3;
	[dreg:$0x14] =	wrdreg s26  }
0x22: {  	s18 =	sadd.s32 s1, s7;
	s1 =	sadd.s32 s8, s20;
	s7 =	simm.s32 $0x1  }
0x23: {  	s8 =	simm.s32 $0x3;
	s30 =	sadd.s32 $0x200, s1;
	s1 =	simm.s32 $0x1400  }
.LBB2_1:
.Ltmp0:
0x24: {  	(pc) =	sbr.rel @p0 .LBB2_3-.Ltmp0, $1  }
0x25: {  	_ =	sdelay $0x3  }
0x26: {  	s20 =	rddreg [dreg:$0x6]  }
0x27: {  	[tilespmem:s2], [sflag:$0x5] =	stream.linear.gather [hbm4b:s20+s2], $0x400, $0x38;
	[tilespmem:$0x3400] =	vst v63  }
0x28: {  	_ =	swait.ge [sflag:s31], $0x400  }
0x29: {  	[sflag:s31] =	ssyncset.done $0x0  }
0x2a: {  	[sflag:s31] =	ssyncadd.s32 $0xFFFFFC00  }
0x2b: {  	[tilespmem:s1], [sflag:$0x1] =	stream.indirect.gather [hbm4b:s3+s0], $0x20, s2, s0, $0xb8;
	[tilespmem:$0x3400] =	vst v63  }
0x2c: {  	_ = 	snop  }
0x2d: {  	[tilespmem:s6], [sflag:$0x2] =	stream.indirect.gather [hbm4b:s3+s0], $0x20, s0, s0, $0xb8;
	[tilespmem:$0x3400] =	vst v63  }
0x2e: {  	_ =	swait.ge [sflag:s7], $0x1000  }
0x2f: {  	[sflag:s7] =	ssyncset.done $0x0  }
0x30: {  	s24 =	rddreg [dreg:$0x7];
	[sflag:s7] =	ssyncadd.s32 $0xFFFFF000  }
0x31: {  	[hbm4b:s24+s2] =	stream.linear.scatter [tilespmem:s1], [sflag:$0x3], $0x1000, $0x38;
	[tilespmem:$0x3400] =	vst v63  }
0x32: {  	_ =	swait.ge [sflag:s8], $0x1000  }
0x33: {  	[sflag:s8] =	ssyncset.done $0x0  }
0x34: {  	[sflag:s8] =	ssyncadd.s32 $0xFFFFF000  }
0x35: {  	[tilespmem:s1], [sflag:$0x1] =	stream.indirect.gather [hbm4b:s3+s0], $0x20, s9, s0, $0xb8;
	[tilespmem:$0x3400] =	vst v63  }
0x36: {  	_ =	swait.ge [sflag:s12], $0x1000  }
0x37: {  	[sflag:s12] =	ssyncset.done $0x0  }
0x38: {  	s26 =	rddreg [dreg:$0x11];
	[sflag:s12] =	ssyncadd.s32 $0xFFFFF000  }
0x39: {  	[hbm4b:s26+s2] =	stream.linear.scatter [tilespmem:s6], [sflag:$0x4], $0x1000, $0x38;
	[tilespmem:$0x3400] =	vst v63  }
0x3a: {  	_ =	swait.ge [sflag:s13], $0x1000  }
0x3b: {  	[sflag:s13] =	ssyncset.done $0x0  }
0x3c: {  	[sflag:s13] =	ssyncadd.s32 $0xFFFFF000  }
0x3d: {  	[tilespmem:s6], [sflag:$0x2] =	stream.indirect.gather [hbm4b:s3+s0], $0x20, s14, s0, $0xb8;
	[tilespmem:$0x3400] =	vst v63  }
0x3e: {  	_ =	swait.ge [sflag:s7], $0x1000  }
0x3f: {  	[sflag:s7] =	ssyncset.done $0x0  }
0x40: {  	s23 =	rddreg [dreg:$0x12];
	[sflag:s7] =	ssyncadd.s32 $0xFFFFF000  }
0x41: {  	[hbm4b:s23+s2] =	stream.linear.scatter [tilespmem:s1], [sflag:$0x3], $0x1000, $0x38;
	[tilespmem:$0x3400] =	vst v63  }
0x42: {  	_ =	swait.ge [sflag:s8], $0x1000  }
0x43: {  	[sflag:s8] =	ssyncset.done $0x0  }
0x44: {  	[sflag:s8] =	ssyncadd.s32 $0xFFFFF000  }
0x45: {  	[tilespmem:s1], [sflag:$0x1] =	stream.indirect.gather [hbm4b:s3+s0], $0x20, s15, s0, $0xb8;
	[tilespmem:$0x3400] =	vst v63  }
0x46: {  	_ =	swait.ge [sflag:s12], $0x1000  }
0x47: {  	[sflag:s12] =	ssyncset.done $0x0  }
0x48: {  	s24 =	rddreg [dreg:$0x13];
	[sflag:s12] =	ssyncadd.s32 $0xFFFFF000  }
0x49: {  	[hbm4b:s24+s2] =	stream.linear.scatter [tilespmem:s6], [sflag:$0x4], $0x1000, $0x38;
	[tilespmem:$0x3400] =	vst v63  }
0x4a: {  	_ =	swait.ge [sflag:s13], $0x1000  }
0x4b: {  	[sflag:s13] =	ssyncset.done $0x0  }
0x4c: {  	[sflag:s13] =	ssyncadd.s32 $0xFFFFF000  }
0x4d: {  	[tilespmem:s6], [sflag:$0x2] =	stream.indirect.gather [hbm4b:s3+s0], $0x20, s16, s0, $0xb8;
	[tilespmem:$0x3400] =	vst v63  }
0x4e: {  	_ =	swait.ge [sflag:s7], $0x1000  }
0x4f: {  	[sflag:s7] =	ssyncset.done $0x0  }
0x50: {  	s26 =	rddreg [dreg:$0x14];
	[sflag:s7] =	ssyncadd.s32 $0xFFFFF000  }
0x51: {  	[hbm4b:s26+s2] =	stream.linear.scatter [tilespmem:s1], [sflag:$0x3], $0x1000, $0x38;
	[tilespmem:$0x3400] =	vst v63  }
0x52: {  	_ =	swait.ge [sflag:s8], $0x1000  }
0x53: {  	[sflag:s8] =	ssyncset.done $0x0  }
0x54: {  	[sflag:s8] =	ssyncadd.s32 $0xFFFFF000  }
0x55: {  	[tilespmem:s1], [sflag:$0x1] =	stream.indirect.gather [hbm4b:s3+s0], $0x20, s17, s0, $0xb8;
	[tilespmem:$0x3400] =	vst v63  }
0x56: {  	_ =	swait.ge [sflag:s12], $0x1000  }
0x57: {  	[sflag:s12] =	ssyncset.done $0x0  }
0x58: {  	[sflag:s12] =	ssyncadd.s32 $0xFFFFF000  }
0x59: {  	[hbm4b:s25+s2] =	stream.linear.scatter [tilespmem:s6], [sflag:$0x4], $0x1000, $0x38;
	[tilespmem:$0x3400] =	vst v63  }
.Ltmp1:
0x5a: {  	_ = 	snop;
	(pc) =	sbr.rel .LBB2_4-.Ltmp1, $4  }
0x5b: {  	_ =	swait.ge [sflag:s13], $0x1000  }
0x5c: {  	[sflag:s13] =	ssyncset.done $0x0  }
0x5d: {  	s26 =	smov.u32 s22;
	s20 =	rddreg [dreg:$0x8];
	[sflag:s13] =	ssyncadd.s32 $0xFFFFF000  }
0x5e: {  	[tilespmem:s6], [sflag:$0x2] =	stream.indirect.gather [hbm4b:s3+s0], $0x20, s19, s0, $0xb8;
	[tilespmem:$0x3400] =	vst v63  }
.LBB2_3:
0x5f: {  	s20 =	rddreg [dreg:$0x5]  }
0x60: {  	[tilespmem:s2], [sflag:$0x5] =	stream.linear.gather [hbm4b:s20+s2], $0x400, $0x38;
	[tilespmem:$0x3400] =	vst v63  }
0x61: {  	_ =	swait.ge [sflag:s31], $0x400  }
0x62: {  	[sflag:s31] =	ssyncset.done $0x0  }
0x63: {  	[sflag:s31] =	ssyncadd.s32 $0xFFFFFC00  }
0x64: {  	[tilespmem:s1], [sflag:$0x1] =	stream.indirect.gather [hbm4b:s4+s0], $0x20, s2, s0, $0xb8;
	[tilespmem:$0x3400] =	vst v63  }
0x65: {  	_ = 	snop  }
0x66: {  	[tilespmem:s6], [sflag:$0x2] =	stream.indirect.gather [hbm4b:s4+s0], $0x20, s0, s0, $0xb8;
	[tilespmem:$0x3400] =	vst v63  }
0x67: {  	_ =	swait.ge [sflag:s7], $0x1000  }
0x68: {  	[sflag:s7] =	ssyncset.done $0x0  }
0x69: {  	s23 =	rddreg [dreg:$0x9];
	[sflag:s7] =	ssyncadd.s32 $0xFFFFF000  }
0x6a: {  	[hbm4b:s23+s2] =	stream.linear.scatter [tilespmem:s1], [sflag:$0x3], $0x1000, $0x38;
	[tilespmem:$0x3400] =	vst v63  }
0x6b: {  	_ =	swait.ge [sflag:s8], $0x1000  }
0x6c: {  	[sflag:s8] =	ssyncset.done $0x0  }
0x6d: {  	[sflag:s8] =	ssyncadd.s32 $0xFFFFF000  }
0x6e: {  	[tilespmem:s1], [sflag:$0x1] =	stream.indirect.gather [hbm4b:s4+s0], $0x20, s9, s0, $0xb8;
	[tilespmem:$0x3400] =	vst v63  }
0x6f: {  	_ =	swait.ge [sflag:s12], $0x1000  }
0x70: {  	[sflag:s12] =	ssyncset.done $0x0  }
0x71: {  	s24 =	rddreg [dreg:$0xa];
	[sflag:s12] =	ssyncadd.s32 $0xFFFFF000  }
0x72: {  	[hbm4b:s24+s2] =	stream.linear.scatter [tilespmem:s6], [sflag:$0x4], $0x1000, $0x38;
	[tilespmem:$0x3400] =	vst v63  }
0x73: {  	_ =	swait.ge [sflag:s13], $0x1000  }
0x74: {  	[sflag:s13] =	ssyncset.done $0x0  }
0x75: {  	[sflag:s13] =	ssyncadd.s32 $0xFFFFF000  }
0x76: {  	[tilespmem:s6], [sflag:$0x2] =	stream.indirect.gather [hbm4b:s4+s0], $0x20, s14, s0, $0xb8;
	[tilespmem:$0x3400] =	vst v63  }
0x77: {  	_ =	swait.ge [sflag:s7], $0x1000  }
0x78: {  	[sflag:s7] =	ssyncset.done $0x0  }
0x79: {  	s26 =	rddreg [dreg:$0xb];
	[sflag:s7] =	ssyncadd.s32 $0xFFFFF000  }
0x7a: {  	[hbm4b:s26+s2] =	stream.linear.scatter [tilespmem:s1], [sflag:$0x3], $0x1000, $0x38;
	[tilespmem:$0x3400] =	vst v63  }
0x7b: {  	_ =	swait.ge [sflag:s8], $0x1000  }
0x7c: {  	[sflag:s8] =	ssyncset.done $0x0  }
0x7d: {  	[sflag:s8] =	ssyncadd.s32 $0xFFFFF000  }
0x7e: {  	[tilespmem:s1], [sflag:$0x1] =	stream.indirect.gather [hbm4b:s4+s0], $0x20, s15, s0, $0xb8;
	[tilespmem:$0x3400] =	vst v63  }
0x7f: {  	_ =	swait.ge [sflag:s12], $0x1000  }
0x80: {  	[sflag:s12] =	ssyncset.done $0x0  }
0x81: {  	s23 =	rddreg [dreg:$0xc];
	[sflag:s12] =	ssyncadd.s32 $0xFFFFF000  }
0x82: {  	[hbm4b:s23+s2] =	stream.linear.scatter [tilespmem:s6], [sflag:$0x4], $0x1000, $0x38;
	[tilespmem:$0x3400] =	vst v63  }
0x83: {  	_ =	swait.ge [sflag:s13], $0x1000  }
0x84: {  	[sflag:s13] =	ssyncset.done $0x0  }
0x85: {  	[sflag:s13] =	ssyncadd.s32 $0xFFFFF000  }
0x86: {  	[tilespmem:s6], [sflag:$0x2] =	stream.indirect.gather [hbm4b:s4+s0], $0x20, s16, s0, $0xb8;
	[tilespmem:$0x3400] =	vst v63  }
0x87: {  	_ =	swait.ge [sflag:s7], $0x1000  }
0x88: {  	[sflag:s7] =	ssyncset.done $0x0  }
0x89: {  	s24 =	rddreg [dreg:$0xd];
	[sflag:s7] =	ssyncadd.s32 $0xFFFFF000  }
0x8a: {  	[hbm4b:s24+s2] =	stream.linear.scatter [tilespmem:s1], [sflag:$0x3], $0x1000, $0x38;
	[tilespmem:$0x3400] =	vst v63  }
0x8b: {  	_ =	swait.ge [sflag:s8], $0x1000  }
0x8c: {  	[sflag:s8] =	ssyncset.done $0x0  }
0x8d: {  	[sflag:s8] =	ssyncadd.s32 $0xFFFFF000  }
0x8e: {  	[tilespmem:s1], [sflag:$0x1] =	stream.indirect.gather [hbm4b:s4+s0], $0x20, s17, s0, $0xb8;
	[tilespmem:$0x3400] =	vst v63  }
0x8f: {  	_ =	swait.ge [sflag:s12], $0x1000  }
0x90: {  	[sflag:s12] =	ssyncset.done $0x0  }
0x91: {  	s26 =	rddreg [dreg:$0xe];
	[sflag:s12] =	ssyncadd.s32 $0xFFFFF000  }
0x92: {  	[hbm4b:s26+s2] =	stream.linear.scatter [tilespmem:s6], [sflag:$0x4], $0x1000, $0x38;
	[tilespmem:$0x3400] =	vst v63  }
0x93: {  	_ =	swait.ge [sflag:s13], $0x1000  }
0x94: {  	[sflag:s13] =	ssyncset.done $0x0;
	s26 =	rddreg [dreg:$0xf]  }
0x95: {  	s20 =	rddreg [dreg:$0x10];
	[sflag:s13] =	ssyncadd.s32 $0xFFFFF000  }
0x96: {  	[tilespmem:s6], [sflag:$0x2] =	stream.indirect.gather [hbm4b:s4+s0], $0x20, s19, s0, $0xb8;
	[tilespmem:$0x3400] =	vst v63  }
.LBB2_4:
0x97: {  	_ =	swait.ge [sflag:s7], $0x1000  }
0x98: {  	[sflag:s7] =	ssyncset.done $0x0  }
0x99: {  	s23 =	simm.s32 $0x0;
	[sflag:s7] =	ssyncadd.s32 $0xFFFFF000  }
0x9a: {  	[hbm4b:s26+s23] =	stream.linear.scatter [tilespmem:s1], [sflag:$0x3], $0x1000, $0x38;
	[tilespmem:$0x3400] =	vst v63  }
0x9b: {  	_ =	swait.ge [sflag:s12], $0x1000  }
0x9c: {  	[sflag:s12] =	ssyncset.done $0x0  }
0x9d: {  	[sflag:s12] =	ssyncadd.s32 $0xFFFFF000  }
0x9e: {  	[hbm4b:s20+s23] =	stream.linear.scatter [tilespmem:s6], [sflag:$0x4], $0x1000, $0x38;
	[tilespmem:$0x3400] =	vst v63  }
0x9f: {  	_ =	swait.ge [sflag:s8], $0x1000  }
0xa0: {  	[sflag:s8] =	ssyncset.done $0x0  }
0xa1: {  	[sflag:s8] =	ssyncadd.s32 $0xFFFFF000  }
0xa2: {  	_ =	swait.ge [sflag:s13], $0x1000  }
0xa3: {  	[sflag:s13] =	ssyncset.done $0x0  }
0xa4: {  	[sflag:s13] =	ssyncadd.s32 $0xFFFFF000  }
0xa5: {  	[tilespmem:s23], [sflag:$0x5] =	stream.linear.gather [hbm4b:s10+s23], $0x1400, $0x38;
	[tilespmem:$0x3400] =	vst v63  }
0xa6: {  	_ =	swait.ge [sflag:s31], $0x1400  }
0xa7: {  	[sflag:s31] =	ssyncset.done $0x0  }
0xa8: {  	[sflag:s31] =	ssyncadd.s32 $0xFFFFEC00  }
0xa9: {  	[tilespmem:s1], [sflag:$0x1] =	stream.indirect.gather [hbm4b:s5+s0], $0x20, s23, s0, $0xb8;
	[tilespmem:$0x3400] =	vst v63  }
0xaa: {  	_ = 	snop  }
0xab: {  	[tilespmem:s6], [sflag:$0x2] =	stream.indirect.gather [hbm4b:s5+s0], $0x20, s0, s0, $0xb8;
	[tilespmem:$0x3400] =	vst v63  }
0xac: {  	_ =	swait.ge [sflag:s7], $0x1000  }
0xad: {  	[sflag:s7] =	ssyncset.done $0x0  }
0xae: {  	s23 =	sadd.s32 $0x0, s18;
	[sflag:s7] =	ssyncadd.s32 $0xFFFFF000  }
0xaf: {  	[hbm4b:s23+s2] =	stream.linear.scatter [tilespmem:s1], [sflag:$0x3], $0x1000, $0x38;
	[tilespmem:$0x3400] =	vst v63  }
0xb0: {  	_ =	swait.ge [sflag:s8], $0x1000  }
0xb1: {  	[sflag:s8] =	ssyncset.done $0x0  }
0xb2: {  	s24 =	simm.s32 $0x100;
	[sflag:s8] =	ssyncadd.s32 $0xFFFFF000  }
0xb3: {  	[tilespmem:s1], [sflag:$0x1] =	stream.indirect.gather [hbm4b:s5+s0], $0x20, s24, s0, $0xb8;
	[tilespmem:$0x3400] =	vst v63  }
0xb4: {  	_ =	swait.ge [sflag:s12], $0x1000  }
0xb5: {  	[sflag:s12] =	ssyncset.done $0x0  }
0xb6: {  	s26 =	sadd.s32 $0x0, s30;
	[sflag:s12] =	ssyncadd.s32 $0xFFFFF000  }
0xb7: {  	[hbm4b:s26+s2] =	stream.linear.scatter [tilespmem:s6], [sflag:$0x4], $0x1000, $0x38;
	[tilespmem:$0x3400] =	vst v63  }
0xb8: {  	_ =	swait.ge [sflag:s13], $0x1000  }
0xb9: {  	[sflag:s13] =	ssyncset.done $0x0  }
0xba: {  	s20 =	simm.s32 $0x400;
	s26 =	simm.s32 $0x180;
	[sflag:s13] =	ssyncadd.s32 $0xFFFFF000  }
.LBB2_5:
0xbb: {  	[tilespmem:s6], [sflag:$0x2] =	stream.indirect.gather [hbm4b:s5+s0], $0x20, s26, s0, $0xb8;
	[tilespmem:$0x3400] =	vst v63  }
0xbc: {  	s23 =	smov.u32 s20  }
0xbd: {  	p1 =	sne.s32 s20, $0x4800;
	s20 =	sadd.s32 $0x400, s20;
	_ =	swait.ge [sflag:s7], $0x1000  }
0xbe: {  	[sflag:s7] =	ssyncset.done $0x0  }
0xbf: {  	s26 =	sadd.s32 s23, s18;
	[sflag:s7] =	ssyncadd.s32 $0xFFFFF000  }
0xc0: {  	[hbm4b:s26+s2] =	stream.linear.scatter [tilespmem:s1], [sflag:$0x3], $0x1000, $0x38;
	[tilespmem:$0x3400] =	vst v63  }
0xc1: {  	_ =	swait.ge [sflag:s8], $0x1000  }
0xc2: {  	s26 =	sshra.s32 s23, $0x2;
	[sflag:s8] =	ssyncset.done $0x0  }
0xc3: {  	s24 =	sadd.s32 $0x100, s26;
	[sflag:s8] =	ssyncadd.s32 $0xFFFFF000  }
0xc4: {  	[tilespmem:s1], [sflag:$0x1] =	stream.indirect.gather [hbm4b:s5+s0], $0x20, s24, s0, $0xb8;
	[tilespmem:$0x3400] =	vst v63  }
0xc5: {  	_ =	swait.ge [sflag:s12], $0x1000  }
0xc6: {  	[sflag:s12] =	ssyncset.done $0x0  }
.Ltmp2:
0xc7: {  	s23 =	sadd.s32 s23, s30;
	[sflag:s12] =	ssyncadd.s32 $0xFFFFF000;
	(pc) =	sbr.rel @p1 .LBB2_5-.Ltmp2, $4  }
0xc8: {  	[hbm4b:s23+s2] =	stream.linear.scatter [tilespmem:s6], [sflag:$0x4], $0x1000, $0x38;
	[tilespmem:$0x3400] =	vst v63  }
0xc9: {  	_ =	swait.ge [sflag:s13], $0x1000  }
0xca: {  	[sflag:s13] =	ssyncset.done $0x0  }
0xcb: {  	s26 =	sadd.s32 $0x180, s26;
	[sflag:s13] =	ssyncadd.s32 $0xFFFFF000  }
0xcc: {  	[tilespmem:s6], [sflag:$0x2] =	stream.indirect.gather [hbm4b:s5+s0], $0x20, s26, s0, $0xb8;
	[tilespmem:$0x3400] =	vst v63  }
0xcd: {  	_ =	swait.ge [sflag:s7], $0x1000  }
0xce: {  	[sflag:s7] =	ssyncset.done $0x0  }
0xcf: {  	[sflag:s7] =	ssyncadd.s32 $0xFFFFF000  }
0xd0: {  	[hbm4b:s28+s2] =	stream.linear.scatter [tilespmem:s1], [sflag:$0x3], $0x1000, $0x38;
	[tilespmem:$0x3400] =	vst v63  }
0xd1: {  	_ =	swait.ge [sflag:s12], $0x1000  }
0xd2: {  	[sflag:s12] =	ssyncset.done $0x0  }
0xd3: {  	s21 =	sadd.s32 $0x1, s21;
	[sflag:s12] =	ssyncadd.s32 $0xFFFFF000  }
0xd4: {  	[hbm4b:s29+s2] =	stream.linear.scatter [tilespmem:s6], [sflag:$0x4], $0x1000, $0x38;
	[tilespmem:$0x3400] =	vst v63  }
0xd5: {  	p1 =	sne.s32 s21, s11;
	_ =	swait.ge [sflag:s8], $0x1000  }
.Ltmp3:
0xd6: {  	[sflag:s8] =	ssyncset.done $0x0;
	(pc) =	sbr.rel @p1 .LBB2_1-.Ltmp3, $4  }
0xd7: {  	[sflag:s8] =	ssyncadd.s32 $0xFFFFF000  }
0xd8: {  	_ =	swait.ge [sflag:s13], $0x1000  }
0xd9: {  	[sflag:s13] =	ssyncset.done $0x0  }
0xda: {  	[sflag:s13] =	ssyncadd.s32 $0xFFFFF000  }
0xdb: {  	_ =	sfence.sel $0x180000  }
0xdc: {  	[bflag:$0x0] =	sbarrier.arrive $0xFFFF  }
0xdd: {  	_ =	strace $0x90000047  }
0xde: {  	s0 =	stileid.u32;
	[bflag:$0x2] =	sbarrier.arrive $0xFFFF  }
0xdf: {  	p0 =	sne.s32 s0, $0x0;
	s0 =	rddreg [dreg:$0x4]  }
0xe0: {  	s0 =	sadd.s32 @!p0 $0x100000, s0  }
0xe1: {  	[sflag:s0] =	ssyncadd.tile.s32 @!p0 $0x1;
	_ =	shalt  }
.Lfunc_end2:
_tile_overlayer_lowered:
.L_overlay_start_2:
0xe2: {  	(tag) =	ssettag $0x2  }
0xe3: {  	s0 =	rddreg [dreg:$0x0];
	s2 =	stileid.u32  }
0xe4: {  	s1 =	rddreg [dreg:$0x1];
	p0 =	sne.s32 s2, $0x0  }
0xe5: {  	s3 =	rddreg [dreg:$0x2];
	[bflag:$0x3] =	sbarrier.arrive $0xFFFF;
	s2 =	simm.s32 @!p0 $0x1C05  }
0xe6: {  	[timem:s3], [sflag:s2] =	dma.local @!p0 [hbm:s0], s1  }
0xe7: {  	s0 =	simm.s32 @!p0 $0x5  }
0xe8: {  	_ =	swait.ge @!p0 [sflag:s0], s1  }
0xe9: {  	s1 =	ssub.s32 @!p0 $0x0, s1;
	[sflag:s0] =	ssyncset.done @!p0 $0x0  }
0xea: {  	[sflag:s0] =	ssyncadd.s32 @!p0 s1  }
0xeb: {  	[bflag:$0x3] =	sbarrier.arrive $0xFFFF  }
0xec: {  	_ =	shalt  }

</sc_bundles>
